<compile_context>
chip_gen: v7x
topology: tpu7x:2x2x1
jax: 0.10.2.dev20260603
libtpu: 0.0.44.dev20260713+nightly
codegen_flags: <defaults>
</compile_context>

<pallas_src>
import jax
import jax.numpy as jnp
from jax import lax
from jax.experimental import pallas as pl
from jax.experimental.pallas import tpu as pltpu
from jax.experimental.pallas import tpu_sc as plsc

BATCH = 16384
HIST = 50
DEPTH = 101
L = 16
NC, NS = 2, 16
NW = NC * NS
BPW = BATCH // NW
SUB = 256
NSUB = BPW // SUB
NVEC = SUB // L


def _body(in_hbm, out_hbm, idx_v, buf0, buf1, offs0, offs1, sem0, sem1, isem):
    wid = lax.axis_index("s") * NC + lax.axis_index("c")
    b0 = wid * BPW

    pltpu.async_copy(in_hbm.at[:, pl.ds(b0, BPW)], idx_v, isem)

    zeros_f = jnp.zeros((L,), jnp.float32)
    ones_f = jnp.ones((L,), jnp.float32)
    lane = lax.iota(jnp.int32, L)

    def _zero(buf):
        def zr(r, _):
            for k in range(SUB // L):
                buf[r, pl.ds(k * L, L)] = zeros_f
            return _

        lax.fori_loop(0, DEPTH, zr, None)

    def _block(h, sb, buf, offs, sem, first):
        if not first:
            pltpu.make_async_copy(
                buf, out_hbm.at[0, pl.ds(0, DEPTH), pl.ds(0, SUB)], sem
            ).wait()
            for v in range(NVEC):
                c_old = offs[pl.ds(v * L, L)]
                plsc.store_scatter(buf, [c_old, lane + v * L], zeros_f)
        for v in range(NVEC):
            c = idx_v[h, pl.ds(sb * SUB + v * L, L)]
            offs[pl.ds(v * L, L)] = c
            plsc.store_scatter(buf, [c, lane + v * L], ones_f)
        pltpu.async_copy(
            buf, out_hbm.at[h, pl.ds(0, DEPTH), pl.ds(b0 + sb * SUB, SUB)], sem
        )

    _zero(buf0)
    pltpu.make_async_copy(in_hbm.at[:, pl.ds(0, BPW)], idx_v, isem).wait()
    _block(0, 0, buf0, offs0, sem0, True)
    _zero(buf1)
    _block(0, 1, buf1, offs1, sem1, True)

    def _step(h, _):
        _block(h, 0, buf0, offs0, sem0, False)
        _block(h, 1, buf1, offs1, sem1, False)
        return _

    lax.fori_loop(1, HIST, _step, None)

    pltpu.make_async_copy(buf0, out_hbm.at[0, pl.ds(0, DEPTH), pl.ds(0, SUB)], sem0).wait()
    pltpu.make_async_copy(buf1, out_hbm.at[0, pl.ds(0, DEPTH), pl.ds(0, SUB)], sem1).wait()


@jax.jit
def _one_hot_sc(idx_t):
    mesh = plsc.VectorSubcoreMesh(core_axis_name="c", subcore_axis_name="s")
    return pl.kernel(
        _body,
        out_type=jax.ShapeDtypeStruct((HIST, DEPTH, BATCH), jnp.float32),
        mesh=mesh,
        scratch_types=[
            pltpu.VMEM((HIST, BPW), jnp.int32),
            pltpu.VMEM((DEPTH, SUB), jnp.float32),
            pltpu.VMEM((DEPTH, SUB), jnp.float32),
            pltpu.VMEM((SUB,), jnp.int32),
            pltpu.VMEM((SUB,), jnp.int32),
            pltpu.SemaphoreType.DMA,
            pltpu.SemaphoreType.DMA,
            pltpu.SemaphoreType.DMA,
        ],
        compiler_params=pltpu.CompilerParams(needs_layout_passes=False, skip_device_barrier=True),
    )(idx_t)


def kernel(inputs):
    idx_t = jnp.transpose(inputs)
    p = _one_hot_sc(idx_t)
    return jnp.transpose(p, (2, 0, 1))

# --- scband reference (transcript-rebuilt; emitter-appended) ---
"""Pipeline reference for scband-encoding-layer-6554120094004 (READ-ONLY COPY).

The authoritative reference and input builder live on the scoring server;
editing this copy changes nothing except your own understanding.
"""

import jax, jax.numpy as jnp
import numpy as np

VOCAB_SIZE = 100  # len(vocabulary)
DEPTH = VOCAB_SIZE + 1  # +1 for the single OOV index, matching StringLookup(num_oov_indices=1)
BATCH = 16384
HIST = 50

def setup_inputs(seed: int = 0) -> dict:
    key = jax.random.key(seed)
    # The original keras layer takes raw strings and maps them to indices via StringLookup.
    # String tensors are not representable in jax, so we model the inputs as the
    # post-lookup integer indices in [0, DEPTH) (index 0 == OOV bucket).
    inputs = jax.random.randint(key, (BATCH, HIST), 0, DEPTH, dtype=jnp.int32)
    return {"inputs": inputs}

def reference(inputs) -> jnp.ndarray:
    # EncodingLayer.call: indices = lookup(inputs); tf.one_hot(indices, depth=len(vocab)+1)
    return jax.nn.one_hot(inputs, DEPTH, dtype=jnp.float32)

if __name__ == "__main__":
    import jax
    _d = setup_inputs()
    print(jax.jit(kernel)(*tuple(_d.values())))

</pallas_src>

<mosaic_0001>
#map = affine_map<(d0, d1) -> (0, 0)>
#map1 = affine_map<(d0, d1) -> (0, 0, 0)>
module attributes {stable_mosaic.version = 14 : i64} {
  func.func @_body(%arg0: i32, %arg1: i32, %arg2: memref<50x16384xi32, #tpu.memory_space<hbm>>, %arg3: memref<50x101x16384xf32, #tpu.memory_space<hbm>>, %arg4: memref<50x512xi32, #tpu.memory_space<vmem>>, %arg5: memref<101x256xf32, #tpu.memory_space<vmem>>, %arg6: memref<101x256xf32, #tpu.memory_space<vmem>>, %arg7: memref<256xi32, #tpu.memory_space<vmem>>, %arg8: memref<256xi32, #tpu.memory_space<vmem>>, %arg9: memref<!tpu.dma_semaphore, #tpu.memory_space<semaphore_mem>>, %arg10: memref<!tpu.dma_semaphore, #tpu.memory_space<semaphore_mem>>, %arg11: memref<!tpu.dma_semaphore, #tpu.memory_space<semaphore_mem>>) attributes {dimension_semantics = [#tpu.dimension_semantics<core_parallel>, #tpu.dimension_semantics<subcore_parallel>], iteration_bounds = array<i64: 2, 16>, scalar_prefetch = 0 : i64, scratch_operands = 8 : i64, tpu.core_type = #tpu.core_type<sc_vector_subcore>, window_params = [{transform_indices = #map}, {transform_indices = #map1}]} {
    %mul3A = arith.constant 2 : i32
    %mul3A_0 = arith.muli %arg1, %mul3A : i32
    %add3A = arith.addi %mul3A_0, %arg0 : i32
    %mul3A_1 = arith.constant 512 : i32
    %mul3A_2 = arith.muli %add3A, %mul3A_1 : i32
    %dma_start3A = arith.constant 0 : i32
    %dma_start3A_3 = tpu.memref_slice %arg2[%dma_start3A, %mul3A_2] : memref<50x16384xi32, #tpu.memory_space<hbm>> -> memref<50x512xi32, #tpu.memory_space<hbm>>
    %dma_start3A_4 = arith.constant 0 : i32
    %dma_start3A_5 = tpu.memref_slice %arg2[%dma_start3A_4, %mul3A_2] : memref<50x16384xi32, #tpu.memory_space<hbm>> -> memref<50x512xi32, #tpu.memory_space<hbm>>
    tpu.enqueue_dma source(%dma_start3A_5 : memref<50x512xi32, #tpu.memory_space<hbm>>) target(%arg4 : memref<50x512xi32, #tpu.memory_space<vmem>>) target_semaphore(%arg11 : memref<!tpu.dma_semaphore, #tpu.memory_space<semaphore_mem>>)
    %broadcast_in_dim3A = arith.constant 0.000000e+00 : f32
    %broadcast_in_dim3A_6 = vector.broadcast %broadcast_in_dim3A : f32 to vector<16xf32>
    %broadcast_in_dim3A_7 = arith.constant 1.000000e+00 : f32
    %broadcast_in_dim3A_8 = vector.broadcast %broadcast_in_dim3A_7 : f32 to vector<16xf32>
    %iota3A = tpu.iota {dimensions = array<i32: 0>} : vector<16xi32>
    %scan3A = arith.constant 0 : i32
    %scan3A_9 = arith.constant 101 : i32
    %scan3A_10 = arith.addi %scan3A, %scan3A_9 : i32
    %scan3A_11 = arith.constant 1 : i32
    scf.for %scan3A_350 = %scan3A to %scan3A_10 step %scan3A_11  : i32 {
      %swap3A_351 = arith.index_cast %scan3A_350 : i32 to index
      %swap3A_352 = arith.constant 0 : index
      %swap3A_353 = tpu.vector_load %arg5[%swap3A_351, %swap3A_352] {strides = array<i32>} : memref<101x256xf32, #tpu.memory_space<vmem>>, vector<16xf32>,
      tpu.vector_store %arg5[%swap3A_351, %swap3A_352], %broadcast_in_dim3A_6 {strides = array<i32>} : memref<101x256xf32, #tpu.memory_space<vmem>>, vector<16xf32>,
      %swap3A_354 = arith.index_cast %scan3A_350 : i32 to index
      %swap3A_355 = arith.constant 16 : index
      %swap3A_356 = tpu.vector_load %arg5[%swap3A_354, %swap3A_355] {strides = array<i32>} : memref<101x256xf32, #tpu.memory_space<vmem>>, vector<16xf32>,
      tpu.vector_store %arg5[%swap3A_354, %swap3A_355], %broadcast_in_dim3A_6 {strides = array<i32>} : memref<101x256xf32, #tpu.memory_space<vmem>>, vector<16xf32>,
      %swap3A_357 = arith.index_cast %scan3A_350 : i32 to index
      %swap3A_358 = arith.constant 32 : index
      %swap3A_359 = tpu.vector_load %arg5[%swap3A_357, %swap3A_358] {strides = array<i32>} : memref<101x256xf32, #tpu.memory_space<vmem>>, vector<16xf32>,
      tpu.vector_store %arg5[%swap3A_357, %swap3A_358], %broadcast_in_dim3A_6 {strides = array<i32>} : memref<101x256xf32, #tpu.memory_space<vmem>>, vector<16xf32>,
      %swap3A_360 = arith.index_cast %scan3A_350 : i32 to index
      %swap3A_361 = arith.constant 48 : index
      %swap3A_362 = tpu.vector_load %arg5[%swap3A_360, %swap3A_361] {strides = array<i32>} : memref<101x256xf32, #tpu.memory_space<vmem>>, vector<16xf32>,
      tpu.vector_store %arg5[%swap3A_360, %swap3A_361], %broadcast_in_dim3A_6 {strides = array<i32>} : memref<101x256xf32, #tpu.memory_space<vmem>>, vector<16xf32>,
      %swap3A_363 = arith.index_cast %scan3A_350 : i32 to index
      %swap3A_364 = arith.constant 64 : index
      %swap3A_365 = tpu.vector_load %arg5[%swap3A_363, %swap3A_364] {strides = array<i32>} : memref<101x256xf32, #tpu.memory_space<vmem>>, vector<16xf32>,
      tpu.vector_store %arg5[%swap3A_363, %swap3A_364], %broadcast_in_dim3A_6 {strides = array<i32>} : memref<101x256xf32, #tpu.memory_space<vmem>>, vector<16xf32>,
      %swap3A_366 = arith.index_cast %scan3A_350 : i32 to index
      %swap3A_367 = arith.constant 80 : index
      %swap3A_368 = tpu.vector_load %arg5[%swap3A_366, %swap3A_367] {strides = array<i32>} : memref<101x256xf32, #tpu.memory_space<vmem>>, vector<16xf32>,
      tpu.vector_store %arg5[%swap3A_366, %swap3A_367], %broadcast_in_dim3A_6 {strides = array<i32>} : memref<101x256xf32, #tpu.memory_space<vmem>>, vector<16xf32>,
      %swap3A_369 = arith.index_cast %scan3A_350 : i32 to index
      %swap3A_370 = arith.constant 96 : index
      %swap3A_371 = tpu.vector_load %arg5[%swap3A_369, %swap3A_370] {strides = array<i32>} : memref<101x256xf32, #tpu.memory_space<vmem>>, vector<16xf32>,
      tpu.vector_store %arg5[%swap3A_369, %swap3A_370], %broadcast_in_dim3A_6 {strides = array<i32>} : memref<101x256xf32, #tpu.memory_space<vmem>>, vector<16xf32>,
      %swap3A_372 = arith.index_cast %scan3A_350 : i32 to index
      %swap3A_373 = arith.constant 112 : index
      %swap3A_374 = tpu.vector_load %arg5[%swap3A_372, %swap3A_373] {strides = array<i32>} : memref<101x256xf32, #tpu.memory_space<vmem>>, vector<16xf32>,
      tpu.vector_store %arg5[%swap3A_372, %swap3A_373], %broadcast_in_dim3A_6 {strides = array<i32>} : memref<101x256xf32, #tpu.memory_space<vmem>>, vector<16xf32>,
      %swap3A_375 = arith.index_cast %scan3A_350 : i32 to index
      %swap3A_376 = arith.constant 128 : index
      %swap3A_377 = tpu.vector_load %arg5[%swap3A_375, %swap3A_376] {strides = array<i32>} : memref<101x256xf32, #tpu.memory_space<vmem>>, vector<16xf32>,
      tpu.vector_store %arg5[%swap3A_375, %swap3A_376], %broadcast_in_dim3A_6 {strides = array<i32>} : memref<101x256xf32, #tpu.memory_space<vmem>>, vector<16xf32>,
      %swap3A_378 = arith.index_cast %scan3A_350 : i32 to index
      %swap3A_379 = arith.constant 144 : index
      %swap3A_380 = tpu.vector_load %arg5[%swap3A_378, %swap3A_379] {strides = array<i32>} : memref<101x256xf32, #tpu.memory_space<vmem>>, vector<16xf32>,
      tpu.vector_store %arg5[%swap3A_378, %swap3A_379], %broadcast_in_dim3A_6 {strides = array<i32>} : memref<101x256xf32, #tpu.memory_space<vmem>>, vector<16xf32>,
      %swap3A_381 = arith.index_cast %scan3A_350 : i32 to index
      %swap3A_382 = arith.constant 160 : index
      %swap3A_383 = tpu.vector_load %arg5[%swap3A_381, %swap3A_382] {strides = array<i32>} : memref<101x256xf32, #tpu.memory_space<vmem>>, vector<16xf32>,
      tpu.vector_store %arg5[%swap3A_381, %swap3A_382], %broadcast_in_dim3A_6 {strides = array<i32>} : memref<101x256xf32, #tpu.memory_space<vmem>>, vector<16xf32>,
      %swap3A_384 = arith.index_cast %scan3A_350 : i32 to index
      %swap3A_385 = arith.constant 176 : index
      %swap3A_386 = tpu.vector_load %arg5[%swap3A_384, %swap3A_385] {strides = array<i32>} : memref<101x256xf32, #tpu.memory_space<vmem>>, vector<16xf32>,
      tpu.vector_store %arg5[%swap3A_384, %swap3A_385], %broadcast_in_dim3A_6 {strides = array<i32>} : memref<101x256xf32, #tpu.memory_space<vmem>>, vector<16xf32>,
      %swap3A_387 = arith.index_cast %scan3A_350 : i32 to index
      %swap3A_388 = arith.constant 192 : index
      %swap3A_389 = tpu.vector_load %arg5[%swap3A_387, %swap3A_388] {strides = array<i32>} : memref<101x256xf32, #tpu.memory_space<vmem>>, vector<16xf32>,
      tpu.vector_store %arg5[%swap3A_387, %swap3A_388], %broadcast_in_dim3A_6 {strides = array<i32>} : memref<101x256xf32, #tpu.memory_space<vmem>>, vector<16xf32>,
      %swap3A_390 = arith.index_cast %scan3A_350 : i32 to index
      %swap3A_391 = arith.constant 208 : index
      %swap3A_392 = tpu.vector_load %arg5[%swap3A_390, %swap3A_391] {strides = array<i32>} : memref<101x256xf32, #tpu.memory_space<vmem>>, vector<16xf32>,
      tpu.vector_store %arg5[%swap3A_390, %swap3A_391], %broadcast_in_dim3A_6 {strides = array<i32>} : memref<101x256xf32, #tpu.memory_space<vmem>>, vector<16xf32>,
      %swap3A_393 = arith.index_cast %scan3A_350 : i32 to index
      %swap3A_394 = arith.constant 224 : index
      %swap3A_395 = tpu.vector_load %arg5[%swap3A_393, %swap3A_394] {strides = array<i32>} : memref<101x256xf32, #tpu.memory_space<vmem>>, vector<16xf32>,
      tpu.vector_store %arg5[%swap3A_393, %swap3A_394], %broadcast_in_dim3A_6 {strides = array<i32>} : memref<101x256xf32, #tpu.memory_space<vmem>>, vector<16xf32>,
      %swap3A_396 = arith.index_cast %scan3A_350 : i32 to index
      %swap3A_397 = arith.constant 240 : index
      %swap3A_398 = tpu.vector_load %arg5[%swap3A_396, %swap3A_397] {strides = array<i32>} : memref<101x256xf32, #tpu.memory_space<vmem>>, vector<16xf32>,
      tpu.vector_store %arg5[%swap3A_396, %swap3A_397], %broadcast_in_dim3A_6 {strides = array<i32>} : memref<101x256xf32, #tpu.memory_space<vmem>>, vector<16xf32>,
    }
    %scan3A_12 = arith.constant 101 : i32
    %dma_wait3A = arith.constant 0 : i32
    %dma_wait3A_13 = arith.constant 0 : i32
    %dma_wait3A_14 = tpu.memref_slice %arg2[%dma_wait3A, %dma_wait3A_13] : memref<50x16384xi32, #tpu.memory_space<hbm>> -> memref<50x512xi32, #tpu.memory_space<hbm>>
    %dma_wait3A_15 = arith.constant 0 : i32
    %dma_wait3A_16 = arith.constant 0 : i32
    %dma_wait3A_17 = tpu.memref_slice %arg2[%dma_wait3A_15, %dma_wait3A_16] : memref<50x16384xi32, #tpu.memory_space<hbm>> -> memref<50x512xi32, #tpu.memory_space<hbm>>
    tpu.wait_dma2 semaphore(%arg11 : memref<!tpu.dma_semaphore, #tpu.memory_space<semaphore_mem>>) src(%dma_wait3A_17 : memref<50x512xi32, #tpu.memory_space<hbm>>) dst(%arg4 : memref<50x512xi32, #tpu.memory_space<vmem>>)
    %get3A = arith.constant 0 : i32
    %get3A_18 = arith.index_cast %get3A : i32 to index
    %get3A_19 = arith.constant 0 : index
    %get3A_20 = tpu.vector_load %arg4[%get3A_18, %get3A_19] {strides = array<i32>} : memref<50x512xi32, #tpu.memory_space<vmem>>, vector<16xi32>,
    %swap3A = arith.constant 0 : index
    %swap3A_21 = tpu.vector_load %arg7[%swap3A] {strides = array<i32>} : memref<256xi32, #tpu.memory_space<vmem>>, vector<16xi32>,
    tpu.vector_store %arg7[%swap3A], %get3A_20 {strides = array<i32>} : memref<256xi32, #tpu.memory_space<vmem>>, vector<16xi32>,
    %add3A_22 = arith.constant 0 : i32
    %add3A_23 = vector.broadcast %add3A_22 : i32 to vector<16xi32>
    %add3A_24 = arith.addi %iota3A, %add3A_23 : vector<16xi32>
    tpu.vector_store_idx %arg5[%get3A_20, %add3A_24], %broadcast_in_dim3A_8 : memref<101x256xf32, #tpu.memory_space<vmem>>[vector<16xi32>, vector<16xi32>], vector<16xf32>,
    %get3A_25 = arith.constant 0 : i32
    %get3A_26 = arith.index_cast %get3A_25 : i32 to index
    %get3A_27 = arith.constant 16 : index
    %get3A_28 = tpu.vector_load %arg4[%get3A_26, %get3A_27] {strides = array<i32>} : memref<50x512xi32, #tpu.memory_space<vmem>>, vector<16xi32>,
    %swap3A_29 = arith.constant 16 : index
    %swap3A_30 = tpu.vector_load %arg7[%swap3A_29] {strides = array<i32>} : memref<256xi32, #tpu.memory_space<vmem>>, vector<16xi32>,
    tpu.vector_store %arg7[%swap3A_29], %get3A_28 {strides = array<i32>} : memref<256xi32, #tpu.memory_space<vmem>>, vector<16xi32>,
    %add3A_31 = arith.constant 16 : i32
    %add3A_32 = vector.broadcast %add3A_31 : i32 to vector<16xi32>
    %add3A_33 = arith.addi %iota3A, %add3A_32 : vector<16xi32>
    tpu.vector_store_idx %arg5[%get3A_28, %add3A_33], %broadcast_in_dim3A_8 : memref<101x256xf32, #tpu.memory_space<vmem>>[vector<16xi32>, vector<16xi32>], vector<16xf32>,
    %get3A_34 = arith.constant 0 : i32
    %get3A_35 = arith.index_cast %get3A_34 : i32 to index
    %get3A_36 = arith.constant 32 : index
    %get3A_37 = tpu.vector_load %arg4[%get3A_35, %get3A_36] {strides = array<i32>} : memref<50x512xi32, #tpu.memory_space<vmem>>, vector<16xi32>,
    %swap3A_38 = arith.constant 32 : index
    %swap3A_39 = tpu.vector_load %arg7[%swap3A_38] {strides = array<i32>} : memref<256xi32, #tpu.memory_space<vmem>>, vector<16xi32>,
    tpu.vector_store %arg7[%swap3A_38], %get3A_37 {strides = array<i32>} : memref<256xi32, #tpu.memory_space<vmem>>, vector<16xi32>,
    %add3A_40 = arith.constant 32 : i32
    %add3A_41 = vector.broadcast %add3A_40 : i32 to vector<16xi32>
    %add3A_42 = arith.addi %iota3A, %add3A_41 : vector<16xi32>
    tpu.vector_store_idx %arg5[%get3A_37, %add3A_42], %broadcast_in_dim3A_8 : memref<101x256xf32, #tpu.memory_space<vmem>>[vector<16xi32>, vector<16xi32>], vector<16xf32>,
    %get3A_43 = arith.constant 0 : i32
    %get3A_44 = arith.index_cast %get3A_43 : i32 to index
    %get3A_45 = arith.constant 48 : index
    %get3A_46 = tpu.vector_load %arg4[%get3A_44, %get3A_45] {strides = array<i32>} : memref<50x512xi32, #tpu.memory_space<vmem>>, vector<16xi32>,
    %swap3A_47 = arith.constant 48 : index
    %swap3A_48 = tpu.vector_load %arg7[%swap3A_47] {strides = array<i32>} : memref<256xi32, #tpu.memory_space<vmem>>, vector<16xi32>,
    tpu.vector_store %arg7[%swap3A_47], %get3A_46 {strides = array<i32>} : memref<256xi32, #tpu.memory_space<vmem>>, vector<16xi32>,
    %add3A_49 = arith.constant 48 : i32
    %add3A_50 = vector.broadcast %add3A_49 : i32 to vector<16xi32>
    %add3A_51 = arith.addi %iota3A, %add3A_50 : vector<16xi32>
    tpu.vector_store_idx %arg5[%get3A_46, %add3A_51], %broadcast_in_dim3A_8 : memref<101x256xf32, #tpu.memory_space<vmem>>[vector<16xi32>, vector<16xi32>], vector<16xf32>,
    %get3A_52 = arith.constant 0 : i32
    %get3A_53 = arith.index_cast %get3A_52 : i32 to index
    %get3A_54 = arith.constant 64 : index
    %get3A_55 = tpu.vector_load %arg4[%get3A_53, %get3A_54] {strides = array<i32>} : memref<50x512xi32, #tpu.memory_space<vmem>>, vector<16xi32>,
    %swap3A_56 = arith.constant 64 : index
    %swap3A_57 = tpu.vector_load %arg7[%swap3A_56] {strides = array<i32>} : memref<256xi32, #tpu.memory_space<vmem>>, vector<16xi32>,
    tpu.vector_store %arg7[%swap3A_56], %get3A_55 {strides = array<i32>} : memref<256xi32, #tpu.memory_space<vmem>>, vector<16xi32>,
    %add3A_58 = arith.constant 64 : i32
    %add3A_59 = vector.broadcast %add3A_58 : i32 to vector<16xi32>
    %add3A_60 = arith.addi %iota3A, %add3A_59 : vector<16xi32>
    tpu.vector_store_idx %arg5[%get3A_55, %add3A_60], %broadcast_in_dim3A_8 : memref<101x256xf32, #tpu.memory_space<vmem>>[vector<16xi32>, vector<16xi32>], vector<16xf32>,
    %get3A_61 = arith.constant 0 : i32
    %get3A_62 = arith.index_cast %get3A_61 : i32 to index
    %get3A_63 = arith.constant 80 : index
    %get3A_64 = tpu.vector_load %arg4[%get3A_62, %get3A_63] {strides = array<i32>} : memref<50x512xi32, #tpu.memory_space<vmem>>, vector<16xi32>,
    %swap3A_65 = arith.constant 80 : index
    %swap3A_66 = tpu.vector_load %arg7[%swap3A_65] {strides = array<i32>} : memref<256xi32, #tpu.memory_space<vmem>>, vector<16xi32>,
    tpu.vector_store %arg7[%swap3A_65], %get3A_64 {strides = array<i32>} : memref<256xi32, #tpu.memory_space<vmem>>, vector<16xi32>,
    %add3A_67 = arith.constant 80 : i32
    %add3A_68 = vector.broadcast %add3A_67 : i32 to vector<16xi32>
    %add3A_69 = arith.addi %iota3A, %add3A_68 : vector<16xi32>
    tpu.vector_store_idx %arg5[%get3A_64, %add3A_69], %broadcast_in_dim3A_8 : memref<101x256xf32, #tpu.memory_space<vmem>>[vector<16xi32>, vector<16xi32>], vector<16xf32>,
    %get3A_70 = arith.constant 0 : i32
    %get3A_71 = arith.index_cast %get3A_70 : i32 to index
    %get3A_72 = arith.constant 96 : index
    %get3A_73 = tpu.vector_load %arg4[%get3A_71, %get3A_72] {strides = array<i32>} : memref<50x512xi32, #tpu.memory_space<vmem>>, vector<16xi32>,
    %swap3A_74 = arith.constant 96 : index
    %swap3A_75 = tpu.vector_load %arg7[%swap3A_74] {strides = array<i32>} : memref<256xi32, #tpu.memory_space<vmem>>, vector<16xi32>,
    tpu.vector_store %arg7[%swap3A_74], %get3A_73 {strides = array<i32>} : memref<256xi32, #tpu.memory_space<vmem>>, vector<16xi32>,
    %add3A_76 = arith.constant 96 : i32
    %add3A_77 = vector.broadcast %add3A_76 : i32 to vector<16xi32>
    %add3A_78 = arith.addi %iota3A, %add3A_77 : vector<16xi32>
    tpu.vector_store_idx %arg5[%get3A_73, %add3A_78], %broadcast_in_dim3A_8 : memref<101x256xf32, #tpu.memory_space<vmem>>[vector<16xi32>, vector<16xi32>], vector<16xf32>,
    %get3A_79 = arith.constant 0 : i32
    %get3A_80 = arith.index_cast %get3A_79 : i32 to index
    %get3A_81 = arith.constant 112 : index
    %get3A_82 = tpu.vector_load %arg4[%get3A_80, %get3A_81] {strides = array<i32>} : memref<50x512xi32, #tpu.memory_space<vmem>>, vector<16xi32>,
    %swap3A_83 = arith.constant 112 : index
    %swap3A_84 = tpu.vector_load %arg7[%swap3A_83] {strides = array<i32>} : memref<256xi32, #tpu.memory_space<vmem>>, vector<16xi32>,
    tpu.vector_store %arg7[%swap3A_83], %get3A_82 {strides = array<i32>} : memref<256xi32, #tpu.memory_space<vmem>>, vector<16xi32>,
    %add3A_85 = arith.constant 112 : i32
    %add3A_86 = vector.broadcast %add3A_85 : i32 to vector<16xi32>
    %add3A_87 = arith.addi %iota3A, %add3A_86 : vector<16xi32>
    tpu.vector_store_idx %arg5[%get3A_82, %add3A_87], %broadcast_in_dim3A_8 : memref<101x256xf32, #tpu.memory_space<vmem>>[vector<16xi32>, vector<16xi32>], vector<16xf32>,
    %get3A_88 = arith.constant 0 : i32
    %get3A_89 = arith.index_cast %get3A_88 : i32 to index
    %get3A_90 = arith.constant 128 : index
    %get3A_91 = tpu.vector_load %arg4[%get3A_89, %get3A_90] {strides = array<i32>} : memref<50x512xi32, #tpu.memory_space<vmem>>, vector<16xi32>,
    %swap3A_92 = arith.constant 128 : index
    %swap3A_93 = tpu.vector_load %arg7[%swap3A_92] {strides = array<i32>} : memref<256xi32, #tpu.memory_space<vmem>>, vector<16xi32>,
    tpu.vector_store %arg7[%swap3A_92], %get3A_91 {strides = array<i32>} : memref<256xi32, #tpu.memory_space<vmem>>, vector<16xi32>,
    %add3A_94 = arith.constant 128 : i32
    %add3A_95 = vector.broadcast %add3A_94 : i32 to vector<16xi32>
    %add3A_96 = arith.addi %iota3A, %add3A_95 : vector<16xi32>
    tpu.vector_store_idx %arg5[%get3A_91, %add3A_96], %broadcast_in_dim3A_8 : memref<101x256xf32, #tpu.memory_space<vmem>>[vector<16xi32>, vector<16xi32>], vector<16xf32>,
    %get3A_97 = arith.constant 0 : i32
    %get3A_98 = arith.index_cast %get3A_97 : i32 to index
    %get3A_99 = arith.constant 144 : index
    %get3A_100 = tpu.vector_load %arg4[%get3A_98, %get3A_99] {strides = array<i32>} : memref<50x512xi32, #tpu.memory_space<vmem>>, vector<16xi32>,
    %swap3A_101 = arith.constant 144 : index
    %swap3A_102 = tpu.vector_load %arg7[%swap3A_101] {strides = array<i32>} : memref<256xi32, #tpu.memory_space<vmem>>, vector<16xi32>,
    tpu.vector_store %arg7[%swap3A_101], %get3A_100 {strides = array<i32>} : memref<256xi32, #tpu.memory_space<vmem>>, vector<16xi32>,
    %add3A_103 = arith.constant 144 : i32
    %add3A_104 = vector.broadcast %add3A_103 : i32 to vector<16xi32>
    %add3A_105 = arith.addi %iota3A, %add3A_104 : vector<16xi32>
    tpu.vector_store_idx %arg5[%get3A_100, %add3A_105], %broadcast_in_dim3A_8 : memref<101x256xf32, #tpu.memory_space<vmem>>[vector<16xi32>, vector<16xi32>], vector<16xf32>,
    %get3A_106 = arith.constant 0 : i32
    %get3A_107 = arith.index_cast %get3A_106 : i32 to index
    %get3A_108 = arith.constant 160 : index
    %get3A_109 = tpu.vector_load %arg4[%get3A_107, %get3A_108] {strides = array<i32>} : memref<50x512xi32, #tpu.memory_space<vmem>>, vector<16xi32>,
    %swap3A_110 = arith.constant 160 : index
    %swap3A_111 = tpu.vector_load %arg7[%swap3A_110] {strides = array<i32>} : memref<256xi32, #tpu.memory_space<vmem>>, vector<16xi32>,
    tpu.vector_store %arg7[%swap3A_110], %get3A_109 {strides = array<i32>} : memref<256xi32, #tpu.memory_space<vmem>>, vector<16xi32>,
    %add3A_112 = arith.constant 160 : i32
    %add3A_113 = vector.broadcast %add3A_112 : i32 to vector<16xi32>
    %add3A_114 = arith.addi %iota3A, %add3A_113 : vector<16xi32>
    tpu.vector_store_idx %arg5[%get3A_109, %add3A_114], %broadcast_in_dim3A_8 : memref<101x256xf32, #tpu.memory_space<vmem>>[vector<16xi32>, vector<16xi32>], vector<16xf32>,
    %get3A_115 = arith.constant 0 : i32
    %get3A_116 = arith.index_cast %get3A_115 : i32 to index
    %get3A_117 = arith.constant 176 : index
    %get3A_118 = tpu.vector_load %arg4[%get3A_116, %get3A_117] {strides = array<i32>} : memref<50x512xi32, #tpu.memory_space<vmem>>, vector<16xi32>,
    %swap3A_119 = arith.constant 176 : index
    %swap3A_120 = tpu.vector_load %arg7[%swap3A_119] {strides = array<i32>} : memref<256xi32, #tpu.memory_space<vmem>>, vector<16xi32>,
    tpu.vector_store %arg7[%swap3A_119], %get3A_118 {strides = array<i32>} : memref<256xi32, #tpu.memory_space<vmem>>, vector<16xi32>,
    %add3A_121 = arith.constant 176 : i32
    %add3A_122 = vector.broadcast %add3A_121 : i32 to vector<16xi32>
    %add3A_123 = arith.addi %iota3A, %add3A_122 : vector<16xi32>
    tpu.vector_store_idx %arg5[%get3A_118, %add3A_123], %broadcast_in_dim3A_8 : memref<101x256xf32, #tpu.memory_space<vmem>>[vector<16xi32>, vector<16xi32>], vector<16xf32>,
    %get3A_124 = arith.constant 0 : i32
    %get3A_125 = arith.index_cast %get3A_124 : i32 to index
    %get3A_126 = arith.constant 192 : index
    %get3A_127 = tpu.vector_load %arg4[%get3A_125, %get3A_126] {strides = array<i32>} : memref<50x512xi32, #tpu.memory_space<vmem>>, vector<16xi32>,
    %swap3A_128 = arith.constant 192 : index
    %swap3A_129 = tpu.vector_load %arg7[%swap3A_128] {strides = array<i32>} : memref<256xi32, #tpu.memory_space<vmem>>, vector<16xi32>,
    tpu.vector_store %arg7[%swap3A_128], %get3A_127 {strides = array<i32>} : memref<256xi32, #tpu.memory_space<vmem>>, vector<16xi32>,
    %add3A_130 = arith.constant 192 : i32
    %add3A_131 = vector.broadcast %add3A_130 : i32 to vector<16xi32>
    %add3A_132 = arith.addi %iota3A, %add3A_131 : vector<16xi32>
    tpu.vector_store_idx %arg5[%get3A_127, %add3A_132], %broadcast_in_dim3A_8 : memref<101x256xf32, #tpu.memory_space<vmem>>[vector<16xi32>, vector<16xi32>], vector<16xf32>,
    %get3A_133 = arith.constant 0 : i32
    %get3A_134 = arith.index_cast %get3A_133 : i32 to index
    %get3A_135 = arith.constant 208 : index
    %get3A_136 = tpu.vector_load %arg4[%get3A_134, %get3A_135] {strides = array<i32>} : memref<50x512xi32, #tpu.memory_space<vmem>>, vector<16xi32>,
    %swap3A_137 = arith.constant 208 : index
    %swap3A_138 = tpu.vector_load %arg7[%swap3A_137] {strides = array<i32>} : memref<256xi32, #tpu.memory_space<vmem>>, vector<16xi32>,
    tpu.vector_store %arg7[%swap3A_137], %get3A_136 {strides = array<i32>} : memref<256xi32, #tpu.memory_space<vmem>>, vector<16xi32>,
    %add3A_139 = arith.constant 208 : i32
    %add3A_140 = vector.broadcast %add3A_139 : i32 to vector<16xi32>
    %add3A_141 = arith.addi %iota3A, %add3A_140 : vector<16xi32>
    tpu.vector_store_idx %arg5[%get3A_136, %add3A_141], %broadcast_in_dim3A_8 : memref<101x256xf32, #tpu.memory_space<vmem>>[vector<16xi32>, vector<16xi32>], vector<16xf32>,
    %get3A_142 = arith.constant 0 : i32
    %get3A_143 = arith.index_cast %get3A_142 : i32 to index
    %get3A_144 = arith.constant 224 : index
    %get3A_145 = tpu.vector_load %arg4[%get3A_143, %get3A_144] {strides = array<i32>} : memref<50x512xi32, #tpu.memory_space<vmem>>, vector<16xi32>,
    %swap3A_146 = arith.constant 224 : index
    %swap3A_147 = tpu.vector_load %arg7[%swap3A_146] {strides = array<i32>} : memref<256xi32, #tpu.memory_space<vmem>>, vector<16xi32>,
    tpu.vector_store %arg7[%swap3A_146], %get3A_145 {strides = array<i32>} : memref<256xi32, #tpu.memory_space<vmem>>, vector<16xi32>,
    %add3A_148 = arith.constant 224 : i32
    %add3A_149 = vector.broadcast %add3A_148 : i32 to vector<16xi32>
    %add3A_150 = arith.addi %iota3A, %add3A_149 : vector<16xi32>
    tpu.vector_store_idx %arg5[%get3A_145, %add3A_150], %broadcast_in_dim3A_8 : memref<101x256xf32, #tpu.memory_space<vmem>>[vector<16xi32>, vector<16xi32>], vector<16xf32>,
    %get3A_151 = arith.constant 0 : i32
    %get3A_152 = arith.index_cast %get3A_151 : i32 to index
    %get3A_153 = arith.constant 240 : index
    %get3A_154 = tpu.vector_load %arg4[%get3A_152, %get3A_153] {strides = array<i32>} : memref<50x512xi32, #tpu.memory_space<vmem>>, vector<16xi32>,
    %swap3A_155 = arith.constant 240 : index
    %swap3A_156 = tpu.vector_load %arg7[%swap3A_155] {strides = array<i32>} : memref<256xi32, #tpu.memory_space<vmem>>, vector<16xi32>,
    tpu.vector_store %arg7[%swap3A_155], %get3A_154 {strides = array<i32>} : memref<256xi32, #tpu.memory_space<vmem>>, vector<16xi32>,
    %add3A_157 = arith.constant 240 : i32
    %add3A_158 = vector.broadcast %add3A_157 : i32 to vector<16xi32>
    %add3A_159 = arith.addi %iota3A, %add3A_158 : vector<16xi32>
    tpu.vector_store_idx %arg5[%get3A_154, %add3A_159], %broadcast_in_dim3A_8 : memref<101x256xf32, #tpu.memory_space<vmem>>[vector<16xi32>, vector<16xi32>], vector<16xf32>,
    %add3A_160 = arith.constant 0 : i32
    %add3A_161 = arith.addi %mul3A_2, %add3A_160 : i32
    %dma_start3A_162 = arith.constant 0 : i32
    %dma_start3A_163 = arith.constant 0 : i32
    %dma_start3A_164 = tpu.memref_slice %arg3[%dma_start3A_162, %dma_start3A_163, %add3A_161] : memref<50x101x16384xf32, #tpu.memory_space<hbm>> -> memref<1x101x256xf32, #tpu.memory_space<hbm>>
    %dma_start3A_165 = tpu.memref_squeeze %dma_start3A_164 : memref<1x101x256xf32, #tpu.memory_space<hbm>> -> memref<101x256xf32, #tpu.memory_space<hbm>>
    %dma_start3A_166 = arith.constant 0 : i32
    %dma_start3A_167 = tpu.memref_slice %arg3[%dma_start3A_162, %dma_start3A_166, %add3A_161] : memref<50x101x16384xf32, #tpu.memory_space<hbm>> -> memref<1x101x256xf32, #tpu.memory_space<hbm>>
    %dma_start3A_168 = tpu.memref_squeeze %dma_start3A_167 : memref<1x101x256xf32, #tpu.memory_space<hbm>> -> memref<101x256xf32, #tpu.memory_space<hbm>>
    tpu.enqueue_dma source(%arg5 : memref<101x256xf32, #tpu.memory_space<vmem>>) target(%dma_start3A_168 : memref<101x256xf32, #tpu.memory_space<hbm>>) target_semaphore(%arg9 : memref<!tpu.dma_semaphore, #tpu.memory_space<semaphore_mem>>)
    %scan3A_169 = arith.constant 0 : i32
    %scan3A_170 = arith.constant 101 : i32
    %scan3A_171 = arith.addi %scan3A_169, %scan3A_170 : i32
    %scan3A_172 = arith.constant 1 : i32
    scf.for %scan3A_350 = %scan3A_169 to %scan3A_171 step %scan3A_172  : i32 {
      %swap3A_351 = arith.index_cast %scan3A_350 : i32 to index
      %swap3A_352 = arith.constant 0 : index
      %swap3A_353 = tpu.vector_load %arg6[%swap3A_351, %swap3A_352] {strides = array<i32>} : memref<101x256xf32, #tpu.memory_space<vmem>>, vector<16xf32>,
      tpu.vector_store %arg6[%swap3A_351, %swap3A_352], %broadcast_in_dim3A_6 {strides = array<i32>} : memref<101x256xf32, #tpu.memory_space<vmem>>, vector<16xf32>,
      %swap3A_354 = arith.index_cast %scan3A_350 : i32 to index
      %swap3A_355 = arith.constant 16 : index
      %swap3A_356 = tpu.vector_load %arg6[%swap3A_354, %swap3A_355] {strides = array<i32>} : memref<101x256xf32, #tpu.memory_space<vmem>>, vector<16xf32>,
      tpu.vector_store %arg6[%swap3A_354, %swap3A_355], %broadcast_in_dim3A_6 {strides = array<i32>} : memref<101x256xf32, #tpu.memory_space<vmem>>, vector<16xf32>,
      %swap3A_357 = arith.index_cast %scan3A_350 : i32 to index
      %swap3A_358 = arith.constant 32 : index
      %swap3A_359 = tpu.vector_load %arg6[%swap3A_357, %swap3A_358] {strides = array<i32>} : memref<101x256xf32, #tpu.memory_space<vmem>>, vector<16xf32>,
      tpu.vector_store %arg6[%swap3A_357, %swap3A_358], %broadcast_in_dim3A_6 {strides = array<i32>} : memref<101x256xf32, #tpu.memory_space<vmem>>, vector<16xf32>,
      %swap3A_360 = arith.index_cast %scan3A_350 : i32 to index
      %swap3A_361 = arith.constant 48 : index
      %swap3A_362 = tpu.vector_load %arg6[%swap3A_360, %swap3A_361] {strides = array<i32>} : memref<101x256xf32, #tpu.memory_space<vmem>>, vector<16xf32>,
      tpu.vector_store %arg6[%swap3A_360, %swap3A_361], %broadcast_in_dim3A_6 {strides = array<i32>} : memref<101x256xf32, #tpu.memory_space<vmem>>, vector<16xf32>,
      %swap3A_363 = arith.index_cast %scan3A_350 : i32 to index
      %swap3A_364 = arith.constant 64 : index
      %swap3A_365 = tpu.vector_load %arg6[%swap3A_363, %swap3A_364] {strides = array<i32>} : memref<101x256xf32, #tpu.memory_space<vmem>>, vector<16xf32>,
      tpu.vector_store %arg6[%swap3A_363, %swap3A_364], %broadcast_in_dim3A_6 {strides = array<i32>} : memref<101x256xf32, #tpu.memory_space<vmem>>, vector<16xf32>,
      %swap3A_366 = arith.index_cast %scan3A_350 : i32 to index
      %swap3A_367 = arith.constant 80 : index
      %swap3A_368 = tpu.vector_load %arg6[%swap3A_366, %swap3A_367] {strides = array<i32>} : memref<101x256xf32, #tpu.memory_space<vmem>>, vector<16xf32>,
      tpu.vector_store %arg6[%swap3A_366, %swap3A_367], %broadcast_in_dim3A_6 {strides = array<i32>} : memref<101x256xf32, #tpu.memory_space<vmem>>, vector<16xf32>,
      %swap3A_369 = arith.index_cast %scan3A_350 : i32 to index
      %swap3A_370 = arith.constant 96 : index
      %swap3A_371 = tpu.vector_load %arg6[%swap3A_369, %swap3A_370] {strides = array<i32>} : memref<101x256xf32, #tpu.memory_space<vmem>>, vector<16xf32>,
      tpu.vector_store %arg6[%swap3A_369, %swap3A_370], %broadcast_in_dim3A_6 {strides = array<i32>} : memref<101x256xf32, #tpu.memory_space<vmem>>, vector<16xf32>,
      %swap3A_372 = arith.index_cast %scan3A_350 : i32 to index
      %swap3A_373 = arith.constant 112 : index
      %swap3A_374 = tpu.vector_load %arg6[%swap3A_372, %swap3A_373] {strides = array<i32>} : memref<101x256xf32, #tpu.memory_space<vmem>>, vector<16xf32>,
      tpu.vector_store %arg6[%swap3A_372, %swap3A_373], %broadcast_in_dim3A_6 {strides = array<i32>} : memref<101x256xf32, #tpu.memory_space<vmem>>, vector<16xf32>,
      %swap3A_375 = arith.index_cast %scan3A_350 : i32 to index
      %swap3A_376 = arith.constant 128 : index
      %swap3A_377 = tpu.vector_load %arg6[%swap3A_375, %swap3A_376] {strides = array<i32>} : memref<101x256xf32, #tpu.memory_space<vmem>>, vector<16xf32>,
      tpu.vector_store %arg6[%swap3A_375, %swap3A_376], %broadcast_in_dim3A_6 {strides = array<i32>} : memref<101x256xf32, #tpu.memory_space<vmem>>, vector<16xf32>,
      %swap3A_378 = arith.index_cast %scan3A_350 : i32 to index
      %swap3A_379 = arith.constant 144 : index
      %swap3A_380 = tpu.vector_load %arg6[%swap3A_378, %swap3A_379] {strides = array<i32>} : memref<101x256xf32, #tpu.memory_space<vmem>>, vector<16xf32>,
      tpu.vector_store %arg6[%swap3A_378, %swap3A_379], %broadcast_in_dim3A_6 {strides = array<i32>} : memref<101x256xf32, #tpu.memory_space<vmem>>, vector<16xf32>,
      %swap3A_381 = arith.index_cast %scan3A_350 : i32 to index
      %swap3A_382 = arith.constant 160 : index
      %swap3A_383 = tpu.vector_load %arg6[%swap3A_381, %swap3A_382] {strides = array<i32>} : memref<101x256xf32, #tpu.memory_space<vmem>>, vector<16xf32>,
      tpu.vector_store %arg6[%swap3A_381, %swap3A_382], %broadcast_in_dim3A_6 {strides = array<i32>} : memref<101x256xf32, #tpu.memory_space<vmem>>, vector<16xf32>,
      %swap3A_384 = arith.index_cast %scan3A_350 : i32 to index
      %swap3A_385 = arith.constant 176 : index
      %swap3A_386 = tpu.vector_load %arg6[%swap3A_384, %swap3A_385] {strides = array<i32>} : memref<101x256xf32, #tpu.memory_space<vmem>>, vector<16xf32>,
      tpu.vector_store %arg6[%swap3A_384, %swap3A_385], %broadcast_in_dim3A_6 {strides = array<i32>} : memref<101x256xf32, #tpu.memory_space<vmem>>, vector<16xf32>,
      %swap3A_387 = arith.index_cast %scan3A_350 : i32 to index
      %swap3A_388 = arith.constant 192 : index
      %swap3A_389 = tpu.vector_load %arg6[%swap3A_387, %swap3A_388] {strides = array<i32>} : memref<101x256xf32, #tpu.memory_space<vmem>>, vector<16xf32>,
      tpu.vector_store %arg6[%swap3A_387, %swap3A_388], %broadcast_in_dim3A_6 {strides = array<i32>} : memref<101x256xf32, #tpu.memory_space<vmem>>, vector<16xf32>,
      %swap3A_390 = arith.index_cast %scan3A_350 : i32 to index
      %swap3A_391 = arith.constant 208 : index
      %swap3A_392 = tpu.vector_load %arg6[%swap3A_390, %swap3A_391] {strides = array<i32>} : memref<101x256xf32, #tpu.memory_space<vmem>>, vector<16xf32>,
      tpu.vector_store %arg6[%swap3A_390, %swap3A_391], %broadcast_in_dim3A_6 {strides = array<i32>} : memref<101x256xf32, #tpu.memory_space<vmem>>, vector<16xf32>,
      %swap3A_393 = arith.index_cast %scan3A_350 : i32 to index
      %swap3A_394 = arith.constant 224 : index
      %swap3A_395 = tpu.vector_load %arg6[%swap3A_393, %swap3A_394] {strides = array<i32>} : memref<101x256xf32, #tpu.memory_space<vmem>>, vector<16xf32>,
      tpu.vector_store %arg6[%swap3A_393, %swap3A_394], %broadcast_in_dim3A_6 {strides = array<i32>} : memref<101x256xf32, #tpu.memory_space<vmem>>, vector<16xf32>,
      %swap3A_396 = arith.index_cast %scan3A_350 : i32 to index
      %swap3A_397 = arith.constant 240 : index
      %swap3A_398 = tpu.vector_load %arg6[%swap3A_396, %swap3A_397] {strides = array<i32>} : memref<101x256xf32, #tpu.memory_space<vmem>>, vector<16xf32>,
      tpu.vector_store %arg6[%swap3A_396, %swap3A_397], %broadcast_in_dim3A_6 {strides = array<i32>} : memref<101x256xf32, #tpu.memory_space<vmem>>, vector<16xf32>,
    }
    %scan3A_173 = arith.constant 101 : i32
    %get3A_174 = arith.constant 0 : i32
    %get3A_175 = arith.index_cast %get3A_174 : i32 to index
    %get3A_176 = arith.constant 256 : index
    %get3A_177 = tpu.vector_load %arg4[%get3A_175, %get3A_176] {strides = array<i32>} : memref<50x512xi32, #tpu.memory_space<vmem>>, vector<16xi32>,
    %swap3A_178 = arith.constant 0 : index
    %swap3A_179 = tpu.vector_load %arg8[%swap3A_178] {strides = array<i32>} : memref<256xi32, #tpu.memory_space<vmem>>, vector<16xi32>,
    tpu.vector_store %arg8[%swap3A_178], %get3A_177 {strides = array<i32>} : memref<256xi32, #tpu.memory_space<vmem>>, vector<16xi32>,
    %add3A_180 = arith.constant 0 : i32
    %add3A_181 = vector.broadcast %add3A_180 : i32 to vector<16xi32>
    %add3A_182 = arith.addi %iota3A, %add3A_181 : vector<16xi32>
    tpu.vector_store_idx %arg6[%get3A_177, %add3A_182], %broadcast_in_dim3A_8 : memref<101x256xf32, #tpu.memory_space<vmem>>[vector<16xi32>, vector<16xi32>], vector<16xf32>,
    %get3A_183 = arith.constant 0 : i32
    %get3A_184 = arith.index_cast %get3A_183 : i32 to index
    %get3A_185 = arith.constant 272 : index
    %get3A_186 = tpu.vector_load %arg4[%get3A_184, %get3A_185] {strides = array<i32>} : memref<50x512xi32, #tpu.memory_space<vmem>>, vector<16xi32>,
    %swap3A_187 = arith.constant 16 : index
    %swap3A_188 = tpu.vector_load %arg8[%swap3A_187] {strides = array<i32>} : memref<256xi32, #tpu.memory_space<vmem>>, vector<16xi32>,
    tpu.vector_store %arg8[%swap3A_187], %get3A_186 {strides = array<i32>} : memref<256xi32, #tpu.memory_space<vmem>>, vector<16xi32>,
    %add3A_189 = arith.constant 16 : i32
    %add3A_190 = vector.broadcast %add3A_189 : i32 to vector<16xi32>
    %add3A_191 = arith.addi %iota3A, %add3A_190 : vector<16xi32>
    tpu.vector_store_idx %arg6[%get3A_186, %add3A_191], %broadcast_in_dim3A_8 : memref<101x256xf32, #tpu.memory_space<vmem>>[vector<16xi32>, vector<16xi32>], vector<16xf32>,
    %get3A_192 = arith.constant 0 : i32
    %get3A_193 = arith.index_cast %get3A_192 : i32 to index
    %get3A_194 = arith.constant 288 : index
    %get3A_195 = tpu.vector_load %arg4[%get3A_193, %get3A_194] {strides = array<i32>} : memref<50x512xi32, #tpu.memory_space<vmem>>, vector<16xi32>,
    %swap3A_196 = arith.constant 32 : index
    %swap3A_197 = tpu.vector_load %arg8[%swap3A_196] {strides = array<i32>} : memref<256xi32, #tpu.memory_space<vmem>>, vector<16xi32>,
    tpu.vector_store %arg8[%swap3A_196], %get3A_195 {strides = array<i32>} : memref<256xi32, #tpu.memory_space<vmem>>, vector<16xi32>,
    %add3A_198 = arith.constant 32 : i32
    %add3A_199 = vector.broadcast %add3A_198 : i32 to vector<16xi32>
    %add3A_200 = arith.addi %iota3A, %add3A_199 : vector<16xi32>
    tpu.vector_store_idx %arg6[%get3A_195, %add3A_200], %broadcast_in_dim3A_8 : memref<101x256xf32, #tpu.memory_space<vmem>>[vector<16xi32>, vector<16xi32>], vector<16xf32>,
    %get3A_201 = arith.constant 0 : i32
    %get3A_202 = arith.index_cast %get3A_201 : i32 to index
    %get3A_203 = arith.constant 304 : index
    %get3A_204 = tpu.vector_load %arg4[%get3A_202, %get3A_203] {strides = array<i32>} : memref<50x512xi32, #tpu.memory_space<vmem>>, vector<16xi32>,
    %swap3A_205 = arith.constant 48 : index
    %swap3A_206 = tpu.vector_load %arg8[%swap3A_205] {strides = array<i32>} : memref<256xi32, #tpu.memory_space<vmem>>, vector<16xi32>,
    tpu.vector_store %arg8[%swap3A_205], %get3A_204 {strides = array<i32>} : memref<256xi32, #tpu.memory_space<vmem>>, vector<16xi32>,
    %add3A_207 = arith.constant 48 : i32
    %add3A_208 = vector.broadcast %add3A_207 : i32 to vector<16xi32>
    %add3A_209 = arith.addi %iota3A, %add3A_208 : vector<16xi32>
    tpu.vector_store_idx %arg6[%get3A_204, %add3A_209], %broadcast_in_dim3A_8 : memref<101x256xf32, #tpu.memory_space<vmem>>[vector<16xi32>, vector<16xi32>], vector<16xf32>,
    %get3A_210 = arith.constant 0 : i32
    %get3A_211 = arith.index_cast %get3A_210 : i32 to index
    %get3A_212 = arith.constant 320 : index
    %get3A_213 = tpu.vector_load %arg4[%get3A_211, %get3A_212] {strides = array<i32>} : memref<50x512xi32, #tpu.memory_space<vmem>>, vector<16xi32>,
    %swap3A_214 = arith.constant 64 : index
    %swap3A_215 = tpu.vector_load %arg8[%swap3A_214] {strides = array<i32>} : memref<256xi32, #tpu.memory_space<vmem>>, vector<16xi32>,
    tpu.vector_store %arg8[%swap3A_214], %get3A_213 {strides = array<i32>} : memref<256xi32, #tpu.memory_space<vmem>>, vector<16xi32>,
    %add3A_216 = arith.constant 64 : i32
    %add3A_217 = vector.broadcast %add3A_216 : i32 to vector<16xi32>
    %add3A_218 = arith.addi %iota3A, %add3A_217 : vector<16xi32>
    tpu.vector_store_idx %arg6[%get3A_213, %add3A_218], %broadcast_in_dim3A_8 : memref<101x256xf32, #tpu.memory_space<vmem>>[vector<16xi32>, vector<16xi32>], vector<16xf32>,
    %get3A_219 = arith.constant 0 : i32
    %get3A_220 = arith.index_cast %get3A_219 : i32 to index
    %get3A_221 = arith.constant 336 : index
    %get3A_222 = tpu.vector_load %arg4[%get3A_220, %get3A_221] {strides = array<i32>} : memref<50x512xi32, #tpu.memory_space<vmem>>, vector<16xi32>,
    %swap3A_223 = arith.constant 80 : index
    %swap3A_224 = tpu.vector_load %arg8[%swap3A_223] {strides = array<i32>} : memref<256xi32, #tpu.memory_space<vmem>>, vector<16xi32>,
    tpu.vector_store %arg8[%swap3A_223], %get3A_222 {strides = array<i32>} : memref<256xi32, #tpu.memory_space<vmem>>, vector<16xi32>,
    %add3A_225 = arith.constant 80 : i32
    %add3A_226 = vector.broadcast %add3A_225 : i32 to vector<16xi32>
    %add3A_227 = arith.addi %iota3A, %add3A_226 : vector<16xi32>
    tpu.vector_store_idx %arg6[%get3A_222, %add3A_227], %broadcast_in_dim3A_8 : memref<101x256xf32, #tpu.memory_space<vmem>>[vector<16xi32>, vector<16xi32>], vector<16xf32>,
    %get3A_228 = arith.constant 0 : i32
    %get3A_229 = arith.index_cast %get3A_228 : i32 to index
    %get3A_230 = arith.constant 352 : index
    %get3A_231 = tpu.vector_load %arg4[%get3A_229, %get3A_230] {strides = array<i32>} : memref<50x512xi32, #tpu.memory_space<vmem>>, vector<16xi32>,
    %swap3A_232 = arith.constant 96 : index
    %swap3A_233 = tpu.vector_load %arg8[%swap3A_232] {strides = array<i32>} : memref<256xi32, #tpu.memory_space<vmem>>, vector<16xi32>,
    tpu.vector_store %arg8[%swap3A_232], %get3A_231 {strides = array<i32>} : memref<256xi32, #tpu.memory_space<vmem>>, vector<16xi32>,
    %add3A_234 = arith.constant 96 : i32
    %add3A_235 = vector.broadcast %add3A_234 : i32 to vector<16xi32>
    %add3A_236 = arith.addi %iota3A, %add3A_235 : vector<16xi32>
    tpu.vector_store_idx %arg6[%get3A_231, %add3A_236], %broadcast_in_dim3A_8 : memref<101x256xf32, #tpu.memory_space<vmem>>[vector<16xi32>, vector<16xi32>], vector<16xf32>,
    %get3A_237 = arith.constant 0 : i32
    %get3A_238 = arith.index_cast %get3A_237 : i32 to index
    %get3A_239 = arith.constant 368 : index
    %get3A_240 = tpu.vector_load %arg4[%get3A_238, %get3A_239] {strides = array<i32>} : memref<50x512xi32, #tpu.memory_space<vmem>>, vector<16xi32>,
    %swap3A_241 = arith.constant 112 : index
    %swap3A_242 = tpu.vector_load %arg8[%swap3A_241] {strides = array<i32>} : memref<256xi32, #tpu.memory_space<vmem>>, vector<16xi32>,
    tpu.vector_store %arg8[%swap3A_241], %get3A_240 {strides = array<i32>} : memref<256xi32, #tpu.memory_space<vmem>>, vector<16xi32>,
    %add3A_243 = arith.constant 112 : i32
    %add3A_244 = vector.broadcast %add3A_243 : i32 to vector<16xi32>
    %add3A_245 = arith.addi %iota3A, %add3A_244 : vector<16xi32>
    tpu.vector_store_idx %arg6[%get3A_240, %add3A_245], %broadcast_in_dim3A_8 : memref<101x256xf32, #tpu.memory_space<vmem>>[vector<16xi32>, vector<16xi32>], vector<16xf32>,
    %get3A_246 = arith.constant 0 : i32
    %get3A_247 = arith.index_cast %get3A_246 : i32 to index
    %get3A_248 = arith.constant 384 : index
    %get3A_249 = tpu.vector_load %arg4[%get3A_247, %get3A_248] {strides = array<i32>} : memref<50x512xi32, #tpu.memory_space<vmem>>, vector<16xi32>,
    %swap3A_250 = arith.constant 128 : index
    %swap3A_251 = tpu.vector_load %arg8[%swap3A_250] {strides = array<i32>} : memref<256xi32, #tpu.memory_space<vmem>>, vector<16xi32>,
    tpu.vector_store %arg8[%swap3A_250], %get3A_249 {strides = array<i32>} : memref<256xi32, #tpu.memory_space<vmem>>, vector<16xi32>,
    %add3A_252 = arith.constant 128 : i32
    %add3A_253 = vector.broadcast %add3A_252 : i32 to vector<16xi32>
    %add3A_254 = arith.addi %iota3A, %add3A_253 : vector<16xi32>
    tpu.vector_store_idx %arg6[%get3A_249, %add3A_254], %broadcast_in_dim3A_8 : memref<101x256xf32, #tpu.memory_space<vmem>>[vector<16xi32>, vector<16xi32>], vector<16xf32>,
    %get3A_255 = arith.constant 0 : i32
    %get3A_256 = arith.index_cast %get3A_255 : i32 to index
    %get3A_257 = arith.constant 400 : index
    %get3A_258 = tpu.vector_load %arg4[%get3A_256, %get3A_257] {strides = array<i32>} : memref<50x512xi32, #tpu.memory_space<vmem>>, vector<16xi32>,
    %swap3A_259 = arith.constant 144 : index
    %swap3A_260 = tpu.vector_load %arg8[%swap3A_259] {strides = array<i32>} : memref<256xi32, #tpu.memory_space<vmem>>, vector<16xi32>,
    tpu.vector_store %arg8[%swap3A_259], %get3A_258 {strides = array<i32>} : memref<256xi32, #tpu.memory_space<vmem>>, vector<16xi32>,
    %add3A_261 = arith.constant 144 : i32
    %add3A_262 = vector.broadcast %add3A_261 : i32 to vector<16xi32>
    %add3A_263 = arith.addi %iota3A, %add3A_262 : vector<16xi32>
    tpu.vector_store_idx %arg6[%get3A_258, %add3A_263], %broadcast_in_dim3A_8 : memref<101x256xf32, #tpu.memory_space<vmem>>[vector<16xi32>, vector<16xi32>], vector<16xf32>,
    %get3A_264 = arith.constant 0 : i32
    %get3A_265 = arith.index_cast %get3A_264 : i32 to index
    %get3A_266 = arith.constant 416 : index
    %get3A_267 = tpu.vector_load %arg4[%get3A_265, %get3A_266] {strides = array<i32>} : memref<50x512xi32, #tpu.memory_space<vmem>>, vector<16xi32>,
    %swap3A_268 = arith.constant 160 : index
    %swap3A_269 = tpu.vector_load %arg8[%swap3A_268] {strides = array<i32>} : memref<256xi32, #tpu.memory_space<vmem>>, vector<16xi32>,
    tpu.vector_store %arg8[%swap3A_268], %get3A_267 {strides = array<i32>} : memref<256xi32, #tpu.memory_space<vmem>>, vector<16xi32>,
    %add3A_270 = arith.constant 160 : i32
    %add3A_271 = vector.broadcast %add3A_270 : i32 to vector<16xi32>
    %add3A_272 = arith.addi %iota3A, %add3A_271 : vector<16xi32>
    tpu.vector_store_idx %arg6[%get3A_267, %add3A_272], %broadcast_in_dim3A_8 : memref<101x256xf32, #tpu.memory_space<vmem>>[vector<16xi32>, vector<16xi32>], vector<16xf32>,
    %get3A_273 = arith.constant 0 : i32
    %get3A_274 = arith.index_cast %get3A_273 : i32 to index
    %get3A_275 = arith.constant 432 : index
    %get3A_276 = tpu.vector_load %arg4[%get3A_274, %get3A_275] {strides = array<i32>} : memref<50x512xi32, #tpu.memory_space<vmem>>, vector<16xi32>,
    %swap3A_277 = arith.constant 176 : index
    %swap3A_278 = tpu.vector_load %arg8[%swap3A_277] {strides = array<i32>} : memref<256xi32, #tpu.memory_space<vmem>>, vector<16xi32>,
    tpu.vector_store %arg8[%swap3A_277], %get3A_276 {strides = array<i32>} : memref<256xi32, #tpu.memory_space<vmem>>, vector<16xi32>,
    %add3A_279 = arith.constant 176 : i32
    %add3A_280 = vector.broadcast %add3A_279 : i32 to vector<16xi32>
    %add3A_281 = arith.addi %iota3A, %add3A_280 : vector<16xi32>
    tpu.vector_store_idx %arg6[%get3A_276, %add3A_281], %broadcast_in_dim3A_8 : memref<101x256xf32, #tpu.memory_space<vmem>>[vector<16xi32>, vector<16xi32>], vector<16xf32>,
    %get3A_282 = arith.constant 0 : i32
    %get3A_283 = arith.index_cast %get3A_282 : i32 to index
    %get3A_284 = arith.constant 448 : index
    %get3A_285 = tpu.vector_load %arg4[%get3A_283, %get3A_284] {strides = array<i32>} : memref<50x512xi32, #tpu.memory_space<vmem>>, vector<16xi32>,
    %swap3A_286 = arith.constant 192 : index
    %swap3A_287 = tpu.vector_load %arg8[%swap3A_286] {strides = array<i32>} : memref<256xi32, #tpu.memory_space<vmem>>, vector<16xi32>,
    tpu.vector_store %arg8[%swap3A_286], %get3A_285 {strides = array<i32>} : memref<256xi32, #tpu.memory_space<vmem>>, vector<16xi32>,
    %add3A_288 = arith.constant 192 : i32
    %add3A_289 = vector.broadcast %add3A_288 : i32 to vector<16xi32>
    %add3A_290 = arith.addi %iota3A, %add3A_289 : vector<16xi32>
    tpu.vector_store_idx %arg6[%get3A_285, %add3A_290], %broadcast_in_dim3A_8 : memref<101x256xf32, #tpu.memory_space<vmem>>[vector<16xi32>, vector<16xi32>], vector<16xf32>,
    %get3A_291 = arith.constant 0 : i32
    %get3A_292 = arith.index_cast %get3A_291 : i32 to index
    %get3A_293 = arith.constant 464 : index
    %get3A_294 = tpu.vector_load %arg4[%get3A_292, %get3A_293] {strides = array<i32>} : memref<50x512xi32, #tpu.memory_space<vmem>>, vector<16xi32>,
    %swap3A_295 = arith.constant 208 : index
    %swap3A_296 = tpu.vector_load %arg8[%swap3A_295] {strides = array<i32>} : memref<256xi32, #tpu.memory_space<vmem>>, vector<16xi32>,
    tpu.vector_store %arg8[%swap3A_295], %get3A_294 {strides = array<i32>} : memref<256xi32, #tpu.memory_space<vmem>>, vector<16xi32>,
    %add3A_297 = arith.constant 208 : i32
    %add3A_298 = vector.broadcast %add3A_297 : i32 to vector<16xi32>
    %add3A_299 = arith.addi %iota3A, %add3A_298 : vector<16xi32>
    tpu.vector_store_idx %arg6[%get3A_294, %add3A_299], %broadcast_in_dim3A_8 : memref<101x256xf32, #tpu.memory_space<vmem>>[vector<16xi32>, vector<16xi32>], vector<16xf32>,
    %get3A_300 = arith.constant 0 : i32
    %get3A_301 = arith.index_cast %get3A_300 : i32 to index
    %get3A_302 = arith.constant 480 : index
    %get3A_303 = tpu.vector_load %arg4[%get3A_301, %get3A_302] {strides = array<i32>} : memref<50x512xi32, #tpu.memory_space<vmem>>, vector<16xi32>,
    %swap3A_304 = arith.constant 224 : index
    %swap3A_305 = tpu.vector_load %arg8[%swap3A_304] {strides = array<i32>} : memref<256xi32, #tpu.memory_space<vmem>>, vector<16xi32>,
    tpu.vector_store %arg8[%swap3A_304], %get3A_303 {strides = array<i32>} : memref<256xi32, #tpu.memory_space<vmem>>, vector<16xi32>,
    %add3A_306 = arith.constant 224 : i32
    %add3A_307 = vector.broadcast %add3A_306 : i32 to vector<16xi32>
    %add3A_308 = arith.addi %iota3A, %add3A_307 : vector<16xi32>
    tpu.vector_store_idx %arg6[%get3A_303, %add3A_308], %broadcast_in_dim3A_8 : memref<101x256xf32, #tpu.memory_space<vmem>>[vector<16xi32>, vector<16xi32>], vector<16xf32>,
    %get3A_309 = arith.constant 0 : i32
    %get3A_310 = arith.index_cast %get3A_309 : i32 to index
    %get3A_311 = arith.constant 496 : index
    %get3A_312 = tpu.vector_load %arg4[%get3A_310, %get3A_311] {strides = array<i32>} : memref<50x512xi32, #tpu.memory_space<vmem>>, vector<16xi32>,
    %swap3A_313 = arith.constant 240 : index
    %swap3A_314 = tpu.vector_load %arg8[%swap3A_313] {strides = array<i32>} : memref<256xi32, #tpu.memory_space<vmem>>, vector<16xi32>,
    tpu.vector_store %arg8[%swap3A_313], %get3A_312 {strides = array<i32>} : memref<256xi32, #tpu.memory_space<vmem>>, vector<16xi32>,
    %add3A_315 = arith.constant 240 : i32
    %add3A_316 = vector.broadcast %add3A_315 : i32 to vector<16xi32>
    %add3A_317 = arith.addi %iota3A, %add3A_316 : vector<16xi32>
    tpu.vector_store_idx %arg6[%get3A_312, %add3A_317], %broadcast_in_dim3A_8 : memref<101x256xf32, #tpu.memory_space<vmem>>[vector<16xi32>, vector<16xi32>], vector<16xf32>,
    %add3A_318 = arith.constant 256 : i32
    %add3A_319 = arith.addi %mul3A_2, %add3A_318 : i32
    %dma_start3A_320 = arith.constant 0 : i32
    %dma_start3A_321 = arith.constant 0 : i32
    %dma_start3A_322 = tpu.memref_slice %arg3[%dma_start3A_320, %dma_start3A_321, %add3A_319] : memref<50x101x16384xf32, #tpu.memory_space<hbm>> -> memref<1x101x256xf32, #tpu.memory_space<hbm>>
    %dma_start3A_323 = tpu.memref_squeeze %dma_start3A_322 : memref<1x101x256xf32, #tpu.memory_space<hbm>> -> memref<101x256xf32, #tpu.memory_space<hbm>>
    %dma_start3A_324 = arith.constant 0 : i32
    %dma_start3A_325 = tpu.memref_slice %arg3[%dma_start3A_320, %dma_start3A_324, %add3A_319] : memref<50x101x16384xf32, #tpu.memory_space<hbm>> -> memref<1x101x256xf32, #tpu.memory_space<hbm>>
    %dma_start3A_326 = tpu.memref_squeeze %dma_start3A_325 : memref<1x101x256xf32, #tpu.memory_space<hbm>> -> memref<101x256xf32, #tpu.memory_space<hbm>>
    tpu.enqueue_dma source(%arg6 : memref<101x256xf32, #tpu.memory_space<vmem>>) target(%dma_start3A_326 : memref<101x256xf32, #tpu.memory_space<hbm>>) target_semaphore(%arg10 : memref<!tpu.dma_semaphore, #tpu.memory_space<semaphore_mem>>)
    %scan3A_327 = arith.constant 1 : i32
    %scan3A_328 = arith.constant 49 : i32
    %scan3A_329 = arith.addi %scan3A_327, %scan3A_328 : i32
    %scan3A_330 = arith.constant 1 : i32
    scf.for %scan3A_350 = %scan3A_327 to %scan3A_329 step %scan3A_330  : i32 {
      %dma_wait3A_351 = arith.constant 0 : i32
      %dma_wait3A_352 = arith.constant 0 : i32
      %dma_wait3A_353 = arith.constant 0 : i32
      %dma_wait3A_354 = tpu.memref_slice %arg3[%dma_wait3A_351, %dma_wait3A_352, %dma_wait3A_353] : memref<50x101x16384xf32, #tpu.memory_space<hbm>> -> memref<1x101x256xf32, #tpu.memory_space<hbm>>
      %dma_wait3A_355 = tpu.memref_squeeze %dma_wait3A_354 : memref<1x101x256xf32, #tpu.memory_space<hbm>> -> memref<101x256xf32, #tpu.memory_space<hbm>>
      %dma_wait3A_356 = arith.constant 0 : i32
      %dma_wait3A_357 = arith.constant 0 : i32
      %dma_wait3A_358 = tpu.memref_slice %arg3[%dma_wait3A_351, %dma_wait3A_356, %dma_wait3A_357] : memref<50x101x16384xf32, #tpu.memory_space<hbm>> -> memref<1x101x256xf32, #tpu.memory_space<hbm>>
      %dma_wait3A_359 = tpu.memref_squeeze %dma_wait3A_358 : memref<1x101x256xf32, #tpu.memory_space<hbm>> -> memref<101x256xf32, #tpu.memory_space<hbm>>
      tpu.wait_dma2 semaphore(%arg9 : memref<!tpu.dma_semaphore, #tpu.memory_space<semaphore_mem>>) src(%arg5 : memref<101x256xf32, #tpu.memory_space<vmem>>) dst(%dma_wait3A_359 : memref<101x256xf32, #tpu.memory_space<hbm>>)
      %get3A_360 = arith.constant 0 : index
      %get3A_361 = tpu.vector_load %arg7[%get3A_360] {strides = array<i32>} : memref<256xi32, #tpu.memory_space<vmem>>, vector<16xi32>,
      %add3A_362 = arith.constant 0 : i32
      %add3A_363 = vector.broadcast %add3A_362 : i32 to vector<16xi32>
      %add3A_364 = arith.addi %iota3A, %add3A_363 : vector<16xi32>
      tpu.vector_store_idx %arg5[%get3A_361, %add3A_364], %broadcast_in_dim3A_6 : memref<101x256xf32, #tpu.memory_space<vmem>>[vector<16xi32>, vector<16xi32>], vector<16xf32>,
      %get3A_365 = arith.constant 16 : index
      %get3A_366 = tpu.vector_load %arg7[%get3A_365] {strides = array<i32>} : memref<256xi32, #tpu.memory_space<vmem>>, vector<16xi32>,
      %add3A_367 = arith.constant 16 : i32
      %add3A_368 = vector.broadcast %add3A_367 : i32 to vector<16xi32>
      %add3A_369 = arith.addi %iota3A, %add3A_368 : vector<16xi32>
      tpu.vector_store_idx %arg5[%get3A_366, %add3A_369], %broadcast_in_dim3A_6 : memref<101x256xf32, #tpu.memory_space<vmem>>[vector<16xi32>, vector<16xi32>], vector<16xf32>,
      %get3A_370 = arith.constant 32 : index
      %get3A_371 = tpu.vector_load %arg7[%get3A_370] {strides = array<i32>} : memref<256xi32, #tpu.memory_space<vmem>>, vector<16xi32>,
      %add3A_372 = arith.constant 32 : i32
      %add3A_373 = vector.broadcast %add3A_372 : i32 to vector<16xi32>
      %add3A_374 = arith.addi %iota3A, %add3A_373 : vector<16xi32>
      tpu.vector_store_idx %arg5[%get3A_371, %add3A_374], %broadcast_in_dim3A_6 : memref<101x256xf32, #tpu.memory_space<vmem>>[vector<16xi32>, vector<16xi32>], vector<16xf32>,
      %get3A_375 = arith.constant 48 : index
      %get3A_376 = tpu.vector_load %arg7[%get3A_375] {strides = array<i32>} : memref<256xi32, #tpu.memory_space<vmem>>, vector<16xi32>,
      %add3A_377 = arith.constant 48 : i32
      %add3A_378 = vector.broadcast %add3A_377 : i32 to vector<16xi32>
      %add3A_379 = arith.addi %iota3A, %add3A_378 : vector<16xi32>
      tpu.vector_store_idx %arg5[%get3A_376, %add3A_379], %broadcast_in_dim3A_6 : memref<101x256xf32, #tpu.memory_space<vmem>>[vector<16xi32>, vector<16xi32>], vector<16xf32>,
      %get3A_380 = arith.constant 64 : index
      %get3A_381 = tpu.vector_load %arg7[%get3A_380] {strides = array<i32>} : memref<256xi32, #tpu.memory_space<vmem>>, vector<16xi32>,
      %add3A_382 = arith.constant 64 : i32
      %add3A_383 = vector.broadcast %add3A_382 : i32 to vector<16xi32>
      %add3A_384 = arith.addi %iota3A, %add3A_383 : vector<16xi32>
      tpu.vector_store_idx %arg5[%get3A_381, %add3A_384], %broadcast_in_dim3A_6 : memref<101x256xf32, #tpu.memory_space<vmem>>[vector<16xi32>, vector<16xi32>], vector<16xf32>,
      %get3A_385 = arith.constant 80 : index
      %get3A_386 = tpu.vector_load %arg7[%get3A_385] {strides = array<i32>} : memref<256xi32, #tpu.memory_space<vmem>>, vector<16xi32>,
      %add3A_387 = arith.constant 80 : i32
      %add3A_388 = vector.broadcast %add3A_387 : i32 to vector<16xi32>
      %add3A_389 = arith.addi %iota3A, %add3A_388 : vector<16xi32>
      tpu.vector_store_idx %arg5[%get3A_386, %add3A_389], %broadcast_in_dim3A_6 : memref<101x256xf32, #tpu.memory_space<vmem>>[vector<16xi32>, vector<16xi32>], vector<16xf32>,
      %get3A_390 = arith.constant 96 : index
      %get3A_391 = tpu.vector_load %arg7[%get3A_390] {strides = array<i32>} : memref<256xi32, #tpu.memory_space<vmem>>, vector<16xi32>,
      %add3A_392 = arith.constant 96 : i32
      %add3A_393 = vector.broadcast %add3A_392 : i32 to vector<16xi32>
      %add3A_394 = arith.addi %iota3A, %add3A_393 : vector<16xi32>
      tpu.vector_store_idx %arg5[%get3A_391, %add3A_394], %broadcast_in_dim3A_6 : memref<101x256xf32, #tpu.memory_space<vmem>>[vector<16xi32>, vector<16xi32>], vector<16xf32>,
      %get3A_395 = arith.constant 112 : index
      %get3A_396 = tpu.vector_load %arg7[%get3A_395] {strides = array<i32>} : memref<256xi32, #tpu.memory_space<vmem>>, vector<16xi32>,
      %add3A_397 = arith.constant 112 : i32
      %add3A_398 = vector.broadcast %add3A_397 : i32 to vector<16xi32>
      %add3A_399 = arith.addi %iota3A, %add3A_398 : vector<16xi32>
      tpu.vector_store_idx %arg5[%get3A_396, %add3A_399], %broadcast_in_dim3A_6 : memref<101x256xf32, #tpu.memory_space<vmem>>[vector<16xi32>, vector<16xi32>], vector<16xf32>,
      %get3A_400 = arith.constant 128 : index
      %get3A_401 = tpu.vector_load %arg7[%get3A_400] {strides = array<i32>} : memref<256xi32, #tpu.memory_space<vmem>>, vector<16xi32>,
      %add3A_402 = arith.constant 128 : i32
      %add3A_403 = vector.broadcast %add3A_402 : i32 to vector<16xi32>
      %add3A_404 = arith.addi %iota3A, %add3A_403 : vector<16xi32>
      tpu.vector_store_idx %arg5[%get3A_401, %add3A_404], %broadcast_in_dim3A_6 : memref<101x256xf32, #tpu.memory_space<vmem>>[vector<16xi32>, vector<16xi32>], vector<16xf32>,
      %get3A_405 = arith.constant 144 : index
      %get3A_406 = tpu.vector_load %arg7[%get3A_405] {strides = array<i32>} : memref<256xi32, #tpu.memory_space<vmem>>, vector<16xi32>,
      %add3A_407 = arith.constant 144 : i32
      %add3A_408 = vector.broadcast %add3A_407 : i32 to vector<16xi32>
      %add3A_409 = arith.addi %iota3A, %add3A_408 : vector<16xi32>
      tpu.vector_store_idx %arg5[%get3A_406, %add3A_409], %broadcast_in_dim3A_6 : memref<101x256xf32, #tpu.memory_space<vmem>>[vector<16xi32>, vector<16xi32>], vector<16xf32>,
      %get3A_410 = arith.constant 160 : index
      %get3A_411 = tpu.vector_load %arg7[%get3A_410] {strides = array<i32>} : memref<256xi32, #tpu.memory_space<vmem>>, vector<16xi32>,
      %add3A_412 = arith.constant 160 : i32
      %add3A_413 = vector.broadcast %add3A_412 : i32 to vector<16xi32>
      %add3A_414 = arith.addi %iota3A, %add3A_413 : vector<16xi32>
      tpu.vector_store_idx %arg5[%get3A_411, %add3A_414], %broadcast_in_dim3A_6 : memref<101x256xf32, #tpu.memory_space<vmem>>[vector<16xi32>, vector<16xi32>], vector<16xf32>,
      %get3A_415 = arith.constant 176 : index
      %get3A_416 = tpu.vector_load %arg7[%get3A_415] {strides = array<i32>} : memref<256xi32, #tpu.memory_space<vmem>>, vector<16xi32>,
      %add3A_417 = arith.constant 176 : i32
      %add3A_418 = vector.broadcast %add3A_417 : i32 to vector<16xi32>
      %add3A_419 = arith.addi %iota3A, %add3A_418 : vector<16xi32>
      tpu.vector_store_idx %arg5[%get3A_416, %add3A_419], %broadcast_in_dim3A_6 : memref<101x256xf32, #tpu.memory_space<vmem>>[vector<16xi32>, vector<16xi32>], vector<16xf32>,
      %get3A_420 = arith.constant 192 : index
      %get3A_421 = tpu.vector_load %arg7[%get3A_420] {strides = array<i32>} : memref<256xi32, #tpu.memory_space<vmem>>, vector<16xi32>,
      %add3A_422 = arith.constant 192 : i32
      %add3A_423 = vector.broadcast %add3A_422 : i32 to vector<16xi32>
      %add3A_424 = arith.addi %iota3A, %add3A_423 : vector<16xi32>
      tpu.vector_store_idx %arg5[%get3A_421, %add3A_424], %broadcast_in_dim3A_6 : memref<101x256xf32, #tpu.memory_space<vmem>>[vector<16xi32>, vector<16xi32>], vector<16xf32>,
      %get3A_425 = arith.constant 208 : index
      %get3A_426 = tpu.vector_load %arg7[%get3A_425] {strides = array<i32>} : memref<256xi32, #tpu.memory_space<vmem>>, vector<16xi32>,
      %add3A_427 = arith.constant 208 : i32
      %add3A_428 = vector.broadcast %add3A_427 : i32 to vector<16xi32>
      %add3A_429 = arith.addi %iota3A, %add3A_428 : vector<16xi32>
      tpu.vector_store_idx %arg5[%get3A_426, %add3A_429], %broadcast_in_dim3A_6 : memref<101x256xf32, #tpu.memory_space<vmem>>[vector<16xi32>, vector<16xi32>], vector<16xf32>,
      %get3A_430 = arith.constant 224 : index
      %get3A_431 = tpu.vector_load %arg7[%get3A_430] {strides = array<i32>} : memref<256xi32, #tpu.memory_space<vmem>>, vector<16xi32>,
      %add3A_432 = arith.constant 224 : i32
      %add3A_433 = vector.broadcast %add3A_432 : i32 to vector<16xi32>
      %add3A_434 = arith.addi %iota3A, %add3A_433 : vector<16xi32>
      tpu.vector_store_idx %arg5[%get3A_431, %add3A_434], %broadcast_in_dim3A_6 : memref<101x256xf32, #tpu.memory_space<vmem>>[vector<16xi32>, vector<16xi32>], vector<16xf32>,
      %get3A_435 = arith.constant 240 : index
      %get3A_436 = tpu.vector_load %arg7[%get3A_435] {strides = array<i32>} : memref<256xi32, #tpu.memory_space<vmem>>, vector<16xi32>,
      %add3A_437 = arith.constant 240 : i32
      %add3A_438 = vector.broadcast %add3A_437 : i32 to vector<16xi32>
      %add3A_439 = arith.addi %iota3A, %add3A_438 : vector<16xi32>
      tpu.vector_store_idx %arg5[%get3A_436, %add3A_439], %broadcast_in_dim3A_6 : memref<101x256xf32, #tpu.memory_space<vmem>>[vector<16xi32>, vector<16xi32>], vector<16xf32>,
      %get3A_440 = arith.index_cast %scan3A_350 : i32 to index
      %get3A_441 = arith.constant 0 : index
      %get3A_442 = tpu.vector_load %arg4[%get3A_440, %get3A_441] {strides = array<i32>} : memref<50x512xi32, #tpu.memory_space<vmem>>, vector<16xi32>,
      %swap3A_443 = arith.constant 0 : index
      %swap3A_444 = tpu.vector_load %arg7[%swap3A_443] {strides = array<i32>} : memref<256xi32, #tpu.memory_space<vmem>>, vector<16xi32>,
      tpu.vector_store %arg7[%swap3A_443], %get3A_442 {strides = array<i32>} : memref<256xi32, #tpu.memory_space<vmem>>, vector<16xi32>,
      %add3A_445 = arith.constant 0 : i32
      %add3A_446 = vector.broadcast %add3A_445 : i32 to vector<16xi32>
      %add3A_447 = arith.addi %iota3A, %add3A_446 : vector<16xi32>
      tpu.vector_store_idx %arg5[%get3A_442, %add3A_447], %broadcast_in_dim3A_8 : memref<101x256xf32, #tpu.memory_space<vmem>>[vector<16xi32>, vector<16xi32>], vector<16xf32>,
      %get3A_448 = arith.index_cast %scan3A_350 : i32 to index
      %get3A_449 = arith.constant 16 : index
      %get3A_450 = tpu.vector_load %arg4[%get3A_448, %get3A_449] {strides = array<i32>} : memref<50x512xi32, #tpu.memory_space<vmem>>, vector<16xi32>,
      %swap3A_451 = arith.constant 16 : index
      %swap3A_452 = tpu.vector_load %arg7[%swap3A_451] {strides = array<i32>} : memref<256xi32, #tpu.memory_space<vmem>>, vector<16xi32>,
      tpu.vector_store %arg7[%swap3A_451], %get3A_450 {strides = array<i32>} : memref<256xi32, #tpu.memory_space<vmem>>, vector<16xi32>,
      %add3A_453 = arith.constant 16 : i32
      %add3A_454 = vector.broadcast %add3A_453 : i32 to vector<16xi32>
      %add3A_455 = arith.addi %iota3A, %add3A_454 : vector<16xi32>
      tpu.vector_store_idx %arg5[%get3A_450, %add3A_455], %broadcast_in_dim3A_8 : memref<101x256xf32, #tpu.memory_space<vmem>>[vector<16xi32>, vector<16xi32>], vector<16xf32>,
      %get3A_456 = arith.index_cast %scan3A_350 : i32 to index
      %get3A_457 = arith.constant 32 : index
      %get3A_458 = tpu.vector_load %arg4[%get3A_456, %get3A_457] {strides = array<i32>} : memref<50x512xi32, #tpu.memory_space<vmem>>, vector<16xi32>,
      %swap3A_459 = arith.constant 32 : index
      %swap3A_460 = tpu.vector_load %arg7[%swap3A_459] {strides = array<i32>} : memref<256xi32, #tpu.memory_space<vmem>>, vector<16xi32>,
      tpu.vector_store %arg7[%swap3A_459], %get3A_458 {strides = array<i32>} : memref<256xi32, #tpu.memory_space<vmem>>, vector<16xi32>,
      %add3A_461 = arith.constant 32 : i32
      %add3A_462 = vector.broadcast %add3A_461 : i32 to vector<16xi32>
      %add3A_463 = arith.addi %iota3A, %add3A_462 : vector<16xi32>
      tpu.vector_store_idx %arg5[%get3A_458, %add3A_463], %broadcast_in_dim3A_8 : memref<101x256xf32, #tpu.memory_space<vmem>>[vector<16xi32>, vector<16xi32>], vector<16xf32>,
      %get3A_464 = arith.index_cast %scan3A_350 : i32 to index
      %get3A_465 = arith.constant 48 : index
      %get3A_466 = tpu.vector_load %arg4[%get3A_464, %get3A_465] {strides = array<i32>} : memref<50x512xi32, #tpu.memory_space<vmem>>, vector<16xi32>,
      %swap3A_467 = arith.constant 48 : index
      %swap3A_468 = tpu.vector_load %arg7[%swap3A_467] {strides = array<i32>} : memref<256xi32, #tpu.memory_space<vmem>>, vector<16xi32>,
      tpu.vector_store %arg7[%swap3A_467], %get3A_466 {strides = array<i32>} : memref<256xi32, #tpu.memory_space<vmem>>, vector<16xi32>,
      %add3A_469 = arith.constant 48 : i32
      %add3A_470 = vector.broadcast %add3A_469 : i32 to vector<16xi32>
      %add3A_471 = arith.addi %iota3A, %add3A_470 : vector<16xi32>
      tpu.vector_store_idx %arg5[%get3A_466, %add3A_471], %broadcast_in_dim3A_8 : memref<101x256xf32, #tpu.memory_space<vmem>>[vector<16xi32>, vector<16xi32>], vector<16xf32>,
      %get3A_472 = arith.index_cast %scan3A_350 : i32 to index
      %get3A_473 = arith.constant 64 : index
      %get3A_474 = tpu.vector_load %arg4[%get3A_472, %get3A_473] {strides = array<i32>} : memref<50x512xi32, #tpu.memory_space<vmem>>, vector<16xi32>,
      %swap3A_475 = arith.constant 64 : index
      %swap3A_476 = tpu.vector_load %arg7[%swap3A_475] {strides = array<i32>} : memref<256xi32, #tpu.memory_space<vmem>>, vector<16xi32>,
      tpu.vector_store %arg7[%swap3A_475], %get3A_474 {strides = array<i32>} : memref<256xi32, #tpu.memory_space<vmem>>, vector<16xi32>,
      %add3A_477 = arith.constant 64 : i32
      %add3A_478 = vector.broadcast %add3A_477 : i32 to vector<16xi32>
      %add3A_479 = arith.addi %iota3A, %add3A_478 : vector<16xi32>
      tpu.vector_store_idx %arg5[%get3A_474, %add3A_479], %broadcast_in_dim3A_8 : memref<101x256xf32, #tpu.memory_space<vmem>>[vector<16xi32>, vector<16xi32>], vector<16xf32>,
      %get3A_480 = arith.index_cast %scan3A_350 : i32 to index
      %get3A_481 = arith.constant 80 : index
      %get3A_482 = tpu.vector_load %arg4[%get3A_480, %get3A_481] {strides = array<i32>} : memref<50x512xi32, #tpu.memory_space<vmem>>, vector<16xi32>,
      %swap3A_483 = arith.constant 80 : index
      %swap3A_484 = tpu.vector_load %arg7[%swap3A_483] {strides = array<i32>} : memref<256xi32, #tpu.memory_space<vmem>>, vector<16xi32>,
      tpu.vector_store %arg7[%swap3A_483], %get3A_482 {strides = array<i32>} : memref<256xi32, #tpu.memory_space<vmem>>, vector<16xi32>,
      %add3A_485 = arith.constant 80 : i32
      %add3A_486 = vector.broadcast %add3A_485 : i32 to vector<16xi32>
      %add3A_487 = arith.addi %iota3A, %add3A_486 : vector<16xi32>
      tpu.vector_store_idx %arg5[%get3A_482, %add3A_487], %broadcast_in_dim3A_8 : memref<101x256xf32, #tpu.memory_space<vmem>>[vector<16xi32>, vector<16xi32>], vector<16xf32>,
      %get3A_488 = arith.index_cast %scan3A_350 : i32 to index
      %get3A_489 = arith.constant 96 : index
      %get3A_490 = tpu.vector_load %arg4[%get3A_488, %get3A_489] {strides = array<i32>} : memref<50x512xi32, #tpu.memory_space<vmem>>, vector<16xi32>,
      %swap3A_491 = arith.constant 96 : index
      %swap3A_492 = tpu.vector_load %arg7[%swap3A_491] {strides = array<i32>} : memref<256xi32, #tpu.memory_space<vmem>>, vector<16xi32>,
      tpu.vector_store %arg7[%swap3A_491], %get3A_490 {strides = array<i32>} : memref<256xi32, #tpu.memory_space<vmem>>, vector<16xi32>,
      %add3A_493 = arith.constant 96 : i32
      %add3A_494 = vector.broadcast %add3A_493 : i32 to vector<16xi32>
      %add3A_495 = arith.addi %iota3A, %add3A_494 : vector<16xi32>
      tpu.vector_store_idx %arg5[%get3A_490, %add3A_495], %broadcast_in_dim3A_8 : memref<101x256xf32, #tpu.memory_space<vmem>>[vector<16xi32>, vector<16xi32>], vector<16xf32>,
      %get3A_496 = arith.index_cast %scan3A_350 : i32 to index
      %get3A_497 = arith.constant 112 : index
      %get3A_498 = tpu.vector_load %arg4[%get3A_496, %get3A_497] {strides = array<i32>} : memref<50x512xi32, #tpu.memory_space<vmem>>, vector<16xi32>,
      %swap3A_499 = arith.constant 112 : index
      %swap3A_500 = tpu.vector_load %arg7[%swap3A_499] {strides = array<i32>} : memref<256xi32, #tpu.memory_space<vmem>>, vector<16xi32>,
      tpu.vector_store %arg7[%swap3A_499], %get3A_498 {strides = array<i32>} : memref<256xi32, #tpu.memory_space<vmem>>, vector<16xi32>,
      %add3A_501 = arith.constant 112 : i32
      %add3A_502 = vector.broadcast %add3A_501 : i32 to vector<16xi32>
      %add3A_503 = arith.addi %iota3A, %add3A_502 : vector<16xi32>
      tpu.vector_store_idx %arg5[%get3A_498, %add3A_503], %broadcast_in_dim3A_8 : memref<101x256xf32, #tpu.memory_space<vmem>>[vector<16xi32>, vector<16xi32>], vector<16xf32>,
      %get3A_504 = arith.index_cast %scan3A_350 : i32 to index
      %get3A_505 = arith.constant 128 : index
      %get3A_506 = tpu.vector_load %arg4[%get3A_504, %get3A_505] {strides = array<i32>} : memref<50x512xi32, #tpu.memory_space<vmem>>, vector<16xi32>,
      %swap3A_507 = arith.constant 128 : index
      %swap3A_508 = tpu.vector_load %arg7[%swap3A_507] {strides = array<i32>} : memref<256xi32, #tpu.memory_space<vmem>>, vector<16xi32>,
      tpu.vector_store %arg7[%swap3A_507], %get3A_506 {strides = array<i32>} : memref<256xi32, #tpu.memory_space<vmem>>, vector<16xi32>,
      %add3A_509 = arith.constant 128 : i32
      %add3A_510 = vector.broadcast %add3A_509 : i32 to vector<16xi32>
      %add3A_511 = arith.addi %iota3A, %add3A_510 : vector<16xi32>
      tpu.vector_store_idx %arg5[%get3A_506, %add3A_511], %broadcast_in_dim3A_8 : memref<101x256xf32, #tpu.memory_space<vmem>>[vector<16xi32>, vector<16xi32>], vector<16xf32>,
      %get3A_512 = arith.index_cast %scan3A_350 : i32 to index
      %get3A_513 = arith.constant 144 : index
      %get3A_514 = tpu.vector_load %arg4[%get3A_512, %get3A_513] {strides = array<i32>} : memref<50x512xi32, #tpu.memory_space<vmem>>, vector<16xi32>,
      %swap3A_515 = arith.constant 144 : index
      %swap3A_516 = tpu.vector_load %arg7[%swap3A_515] {strides = array<i32>} : memref<256xi32, #tpu.memory_space<vmem>>, vector<16xi32>,
      tpu.vector_store %arg7[%swap3A_515], %get3A_514 {strides = array<i32>} : memref<256xi32, #tpu.memory_space<vmem>>, vector<16xi32>,
      %add3A_517 = arith.constant 144 : i32
      %add3A_518 = vector.broadcast %add3A_517 : i32 to vector<16xi32>
      %add3A_519 = arith.addi %iota3A, %add3A_518 : vector<16xi32>
      tpu.vector_store_idx %arg5[%get3A_514, %add3A_519], %broadcast_in_dim3A_8 : memref<101x256xf32, #tpu.memory_space<vmem>>[vector<16xi32>, vector<16xi32>], vector<16xf32>,
      %get3A_520 = arith.index_cast %scan3A_350 : i32 to index
      %get3A_521 = arith.constant 160 : index
      %get3A_522 = tpu.vector_load %arg4[%get3A_520, %get3A_521] {strides = array<i32>} : memref<50x512xi32, #tpu.memory_space<vmem>>, vector<16xi32>,
      %swap3A_523 = arith.constant 160 : index
      %swap3A_524 = tpu.vector_load %arg7[%swap3A_523] {strides = array<i32>} : memref<256xi32, #tpu.memory_space<vmem>>, vector<16xi32>,
      tpu.vector_store %arg7[%swap3A_523], %get3A_522 {strides = array<i32>} : memref<256xi32, #tpu.memory_space<vmem>>, vector<16xi32>,
      %add3A_525 = arith.constant 160 : i32
      %add3A_526 = vector.broadcast %add3A_525 : i32 to vector<16xi32>
      %add3A_527 = arith.addi %iota3A, %add3A_526 : vector<16xi32>
      tpu.vector_store_idx %arg5[%get3A_522, %add3A_527], %broadcast_in_dim3A_8 : memref<101x256xf32, #tpu.memory_space<vmem>>[vector<16xi32>, vector<16xi32>], vector<16xf32>,
      %get3A_528 = arith.index_cast %scan3A_350 : i32 to index
      %get3A_529 = arith.constant 176 : index
      %get3A_530 = tpu.vector_load %arg4[%get3A_528, %get3A_529] {strides = array<i32>} : memref<50x512xi32, #tpu.memory_space<vmem>>, vector<16xi32>,
      %swap3A_531 = arith.constant 176 : index
      %swap3A_532 = tpu.vector_load %arg7[%swap3A_531] {strides = array<i32>} : memref<256xi32, #tpu.memory_space<vmem>>, vector<16xi32>,
      tpu.vector_store %arg7[%swap3A_531], %get3A_530 {strides = array<i32>} : memref<256xi32, #tpu.memory_space<vmem>>, vector<16xi32>,
      %add3A_533 = arith.constant 176 : i32
      %add3A_534 = vector.broadcast %add3A_533 : i32 to vector<16xi32>
      %add3A_535 = arith.addi %iota3A, %add3A_534 : vector<16xi32>
      tpu.vector_store_idx %arg5[%get3A_530, %add3A_535], %broadcast_in_dim3A_8 : memref<101x256xf32, #tpu.memory_space<vmem>>[vector<16xi32>, vector<16xi32>], vector<16xf32>,
      %get3A_536 = arith.index_cast %scan3A_350 : i32 to index
      %get3A_537 = arith.constant 192 : index
      %get3A_538 = tpu.vector_load %arg4[%get3A_536, %get3A_537] {strides = array<i32>} : memref<50x512xi32, #tpu.memory_space<vmem>>, vector<16xi32>,
      %swap3A_539 = arith.constant 192 : index
      %swap3A_540 = tpu.vector_load %arg7[%swap3A_539] {strides = array<i32>} : memref<256xi32, #tpu.memory_space<vmem>>, vector<16xi32>,
      tpu.vector_store %arg7[%swap3A_539], %get3A_538 {strides = array<i32>} : memref<256xi32, #tpu.memory_space<vmem>>, vector<16xi32>,
      %add3A_541 = arith.constant 192 : i32
      %add3A_542 = vector.broadcast %add3A_541 : i32 to vector<16xi32>
      %add3A_543 = arith.addi %iota3A, %add3A_542 : vector<16xi32>
      tpu.vector_store_idx %arg5[%get3A_538, %add3A_543], %broadcast_in_dim3A_8 : memref<101x256xf32, #tpu.memory_space<vmem>>[vector<16xi32>, vector<16xi32>], vector<16xf32>,
      %get3A_544 = arith.index_cast %scan3A_350 : i32 to index
      %get3A_545 = arith.constant 208 : index
      %get3A_546 = tpu.vector_load %arg4[%get3A_544, %get3A_545] {strides = array<i32>} : memref<50x512xi32, #tpu.memory_space<vmem>>, vector<16xi32>,
      %swap3A_547 = arith.constant 208 : index
      %swap3A_548 = tpu.vector_load %arg7[%swap3A_547] {strides = array<i32>} : memref<256xi32, #tpu.memory_space<vmem>>, vector<16xi32>,
      tpu.vector_store %arg7[%swap3A_547], %get3A_546 {strides = array<i32>} : memref<256xi32, #tpu.memory_space<vmem>>, vector<16xi32>,
      %add3A_549 = arith.constant 208 : i32
      %add3A_550 = vector.broadcast %add3A_549 : i32 to vector<16xi32>
      %add3A_551 = arith.addi %iota3A, %add3A_550 : vector<16xi32>
      tpu.vector_store_idx %arg5[%get3A_546, %add3A_551], %broadcast_in_dim3A_8 : memref<101x256xf32, #tpu.memory_space<vmem>>[vector<16xi32>, vector<16xi32>], vector<16xf32>,
      %get3A_552 = arith.index_cast %scan3A_350 : i32 to index
      %get3A_553 = arith.constant 224 : index
      %get3A_554 = tpu.vector_load %arg4[%get3A_552, %get3A_553] {strides = array<i32>} : memref<50x512xi32, #tpu.memory_space<vmem>>, vector<16xi32>,
      %swap3A_555 = arith.constant 224 : index
      %swap3A_556 = tpu.vector_load %arg7[%swap3A_555] {strides = array<i32>} : memref<256xi32, #tpu.memory_space<vmem>>, vector<16xi32>,
      tpu.vector_store %arg7[%swap3A_555], %get3A_554 {strides = array<i32>} : memref<256xi32, #tpu.memory_space<vmem>>, vector<16xi32>,
      %add3A_557 = arith.constant 224 : i32
      %add3A_558 = vector.broadcast %add3A_557 : i32 to vector<16xi32>
      %add3A_559 = arith.addi %iota3A, %add3A_558 : vector<16xi32>
      tpu.vector_store_idx %arg5[%get3A_554, %add3A_559], %broadcast_in_dim3A_8 : memref<101x256xf32, #tpu.memory_space<vmem>>[vector<16xi32>, vector<16xi32>], vector<16xf32>,
      %get3A_560 = arith.index_cast %scan3A_350 : i32 to index
      %get3A_561 = arith.constant 240 : index
      %get3A_562 = tpu.vector_load %arg4[%get3A_560, %get3A_561] {strides = array<i32>} : memref<50x512xi32, #tpu.memory_space<vmem>>, vector<16xi32>,
      %swap3A_563 = arith.constant 240 : index
      %swap3A_564 = tpu.vector_load %arg7[%swap3A_563] {strides = array<i32>} : memref<256xi32, #tpu.memory_space<vmem>>, vector<16xi32>,
      tpu.vector_store %arg7[%swap3A_563], %get3A_562 {strides = array<i32>} : memref<256xi32, #tpu.memory_space<vmem>>, vector<16xi32>,
      %add3A_565 = arith.constant 240 : i32
      %add3A_566 = vector.broadcast %add3A_565 : i32 to vector<16xi32>
      %add3A_567 = arith.addi %iota3A, %add3A_566 : vector<16xi32>
      tpu.vector_store_idx %arg5[%get3A_562, %add3A_567], %broadcast_in_dim3A_8 : memref<101x256xf32, #tpu.memory_space<vmem>>[vector<16xi32>, vector<16xi32>], vector<16xf32>,
      %add3A_568 = arith.constant 0 : i32
      %add3A_569 = arith.addi %mul3A_2, %add3A_568 : i32
      %dma_start3A_570 = arith.constant 0 : i32
      %dma_start3A_571 = tpu.memref_slice %arg3[%scan3A_350, %dma_start3A_570, %add3A_569] : memref<50x101x16384xf32, #tpu.memory_space<hbm>> -> memref<1x101x256xf32, #tpu.memory_space<hbm>>
      %dma_start3A_572 = tpu.memref_squeeze %dma_start3A_571 : memref<1x101x256xf32, #tpu.memory_space<hbm>> -> memref<101x256xf32, #tpu.memory_space<hbm>>
      %dma_start3A_573 = arith.constant 0 : i32
      %dma_start3A_574 = tpu.memref_slice %arg3[%scan3A_350, %dma_start3A_573, %add3A_569] : memref<50x101x16384xf32, #tpu.memory_space<hbm>> -> memref<1x101x256xf32, #tpu.memory_space<hbm>>
      %dma_start3A_575 = tpu.memref_squeeze %dma_start3A_574 : memref<1x101x256xf32, #tpu.memory_space<hbm>> -> memref<101x256xf32, #tpu.memory_space<hbm>>
      tpu.enqueue_dma source(%arg5 : memref<101x256xf32, #tpu.memory_space<vmem>>) target(%dma_start3A_575 : memref<101x256xf32, #tpu.memory_space<hbm>>) target_semaphore(%arg9 : memref<!tpu.dma_semaphore, #tpu.memory_space<semaphore_mem>>)
      %dma_wait3A_576 = arith.constant 0 : i32
      %dma_wait3A_577 = arith.constant 0 : i32
      %dma_wait3A_578 = arith.constant 0 : i32
      %dma_wait3A_579 = tpu.memref_slice %arg3[%dma_wait3A_576, %dma_wait3A_577, %dma_wait3A_578] : memref<50x101x16384xf32, #tpu.memory_space<hbm>> -> memref<1x101x256xf32, #tpu.memory_space<hbm>>
      %dma_wait3A_580 = tpu.memref_squeeze %dma_wait3A_579 : memref<1x101x256xf32, #tpu.memory_space<hbm>> -> memref<101x256xf32, #tpu.memory_space<hbm>>
      %dma_wait3A_581 = arith.constant 0 : i32
      %dma_wait3A_582 = arith.constant 0 : i32
      %dma_wait3A_583 = tpu.memref_slice %arg3[%dma_wait3A_576, %dma_wait3A_581, %dma_wait3A_582] : memref<50x101x16384xf32, #tpu.memory_space<hbm>> -> memref<1x101x256xf32, #tpu.memory_space<hbm>>
      %dma_wait3A_584 = tpu.memref_squeeze %dma_wait3A_583 : memref<1x101x256xf32, #tpu.memory_space<hbm>> -> memref<101x256xf32, #tpu.memory_space<hbm>>
      tpu.wait_dma2 semaphore(%arg10 : memref<!tpu.dma_semaphore, #tpu.memory_space<semaphore_mem>>) src(%arg6 : memref<101x256xf32, #tpu.memory_space<vmem>>) dst(%dma_wait3A_584 : memref<101x256xf32, #tpu.memory_space<hbm>>)
      %get3A_585 = arith.constant 0 : index
      %get3A_586 = tpu.vector_load %arg8[%get3A_585] {strides = array<i32>} : memref<256xi32, #tpu.memory_space<vmem>>, vector<16xi32>,
      %add3A_587 = arith.constant 0 : i32
      %add3A_588 = vector.broadcast %add3A_587 : i32 to vector<16xi32>
      %add3A_589 = arith.addi %iota3A, %add3A_588 : vector<16xi32>
      tpu.vector_store_idx %arg6[%get3A_586, %add3A_589], %broadcast_in_dim3A_6 : memref<101x256xf32, #tpu.memory_space<vmem>>[vector<16xi32>, vector<16xi32>], vector<16xf32>,
      %get3A_590 = arith.constant 16 : index
      %get3A_591 = tpu.vector_load %arg8[%get3A_590] {strides = array<i32>} : memref<256xi32, #tpu.memory_space<vmem>>, vector<16xi32>,
      %add3A_592 = arith.constant 16 : i32
      %add3A_593 = vector.broadcast %add3A_592 : i32 to vector<16xi32>
      %add3A_594 = arith.addi %iota3A, %add3A_593 : vector<16xi32>
      tpu.vector_store_idx %arg6[%get3A_591, %add3A_594], %broadcast_in_dim3A_6 : memref<101x256xf32, #tpu.memory_space<vmem>>[vector<16xi32>, vector<16xi32>], vector<16xf32>,
      %get3A_595 = arith.constant 32 : index
      %get3A_596 = tpu.vector_load %arg8[%get3A_595] {strides = array<i32>} : memref<256xi32, #tpu.memory_space<vmem>>, vector<16xi32>,
      %add3A_597 = arith.constant 32 : i32
      %add3A_598 = vector.broadcast %add3A_597 : i32 to vector<16xi32>
      %add3A_599 = arith.addi %iota3A, %add3A_598 : vector<16xi32>
      tpu.vector_store_idx %arg6[%get3A_596, %add3A_599], %broadcast_in_dim3A_6 : memref<101x256xf32, #tpu.memory_space<vmem>>[vector<16xi32>, vector<16xi32>], vector<16xf32>,
      %get3A_600 = arith.constant 48 : index
      %get3A_601 = tpu.vector_load %arg8[%get3A_600] {strides = array<i32>} : memref<256xi32, #tpu.memory_space<vmem>>, vector<16xi32>,
      %add3A_602 = arith.constant 48 : i32
      %add3A_603 = vector.broadcast %add3A_602 : i32 to vector<16xi32>
      %add3A_604 = arith.addi %iota3A, %add3A_603 : vector<16xi32>
      tpu.vector_store_idx %arg6[%get3A_601, %add3A_604], %broadcast_in_dim3A_6 : memref<101x256xf32, #tpu.memory_space<vmem>>[vector<16xi32>, vector<16xi32>], vector<16xf32>,
      %get3A_605 = arith.constant 64 : index
      %get3A_606 = tpu.vector_load %arg8[%get3A_605] {strides = array<i32>} : memref<256xi32, #tpu.memory_space<vmem>>, vector<16xi32>,
      %add3A_607 = arith.constant 64 : i32
      %add3A_608 = vector.broadcast %add3A_607 : i32 to vector<16xi32>
      %add3A_609 = arith.addi %iota3A, %add3A_608 : vector<16xi32>
      tpu.vector_store_idx %arg6[%get3A_606, %add3A_609], %broadcast_in_dim3A_6 : memref<101x256xf32, #tpu.memory_space<vmem>>[vector<16xi32>, vector<16xi32>], vector<16xf32>,
      %get3A_610 = arith.constant 80 : index
      %get3A_611 = tpu.vector_load %arg8[%get3A_610] {strides = array<i32>} : memref<256xi32, #tpu.memory_space<vmem>>, vector<16xi32>,
      %add3A_612 = arith.constant 80 : i32
      %add3A_613 = vector.broadcast %add3A_612 : i32 to vector<16xi32>
      %add3A_614 = arith.addi %iota3A, %add3A_613 : vector<16xi32>
      tpu.vector_store_idx %arg6[%get3A_611, %add3A_614], %broadcast_in_dim3A_6 : memref<101x256xf32, #tpu.memory_space<vmem>>[vector<16xi32>, vector<16xi32>], vector<16xf32>,
      %get3A_615 = arith.constant 96 : index
      %get3A_616 = tpu.vector_load %arg8[%get3A_615] {strides = array<i32>} : memref<256xi32, #tpu.memory_space<vmem>>, vector<16xi32>,
      %add3A_617 = arith.constant 96 : i32
      %add3A_618 = vector.broadcast %add3A_617 : i32 to vector<16xi32>
      %add3A_619 = arith.addi %iota3A, %add3A_618 : vector<16xi32>
      tpu.vector_store_idx %arg6[%get3A_616, %add3A_619], %broadcast_in_dim3A_6 : memref<101x256xf32, #tpu.memory_space<vmem>>[vector<16xi32>, vector<16xi32>], vector<16xf32>,
      %get3A_620 = arith.constant 112 : index
      %get3A_621 = tpu.vector_load %arg8[%get3A_620] {strides = array<i32>} : memref<256xi32, #tpu.memory_space<vmem>>, vector<16xi32>,
      %add3A_622 = arith.constant 112 : i32
      %add3A_623 = vector.broadcast %add3A_622 : i32 to vector<16xi32>
      %add3A_624 = arith.addi %iota3A, %add3A_623 : vector<16xi32>
      tpu.vector_store_idx %arg6[%get3A_621, %add3A_624], %broadcast_in_dim3A_6 : memref<101x256xf32, #tpu.memory_space<vmem>>[vector<16xi32>, vector<16xi32>], vector<16xf32>,
      %get3A_625 = arith.constant 128 : index
      %get3A_626 = tpu.vector_load %arg8[%get3A_625] {strides = array<i32>} : memref<256xi32, #tpu.memory_space<vmem>>, vector<16xi32>,
      %add3A_627 = arith.constant 128 : i32
      %add3A_628 = vector.broadcast %add3A_627 : i32 to vector<16xi32>
      %add3A_629 = arith.addi %iota3A, %add3A_628 : vector<16xi32>
      tpu.vector_store_idx %arg6[%get3A_626, %add3A_629], %broadcast_in_dim3A_6 : memref<101x256xf32, #tpu.memory_space<vmem>>[vector<16xi32>, vector<16xi32>], vector<16xf32>,
      %get3A_630 = arith.constant 144 : index
      %get3A_631 = tpu.vector_load %arg8[%get3A_630] {strides = array<i32>} : memref<256xi32, #tpu.memory_space<vmem>>, vector<16xi32>,
      %add3A_632 = arith.constant 144 : i32
      %add3A_633 = vector.broadcast %add3A_632 : i32 to vector<16xi32>
      %add3A_634 = arith.addi %iota3A, %add3A_633 : vector<16xi32>
      tpu.vector_store_idx %arg6[%get3A_631, %add3A_634], %broadcast_in_dim3A_6 : memref<101x256xf32, #tpu.memory_space<vmem>>[vector<16xi32>, vector<16xi32>], vector<16xf32>,
      %get3A_635 = arith.constant 160 : index
      %get3A_636 = tpu.vector_load %arg8[%get3A_635] {strides = array<i32>} : memref<256xi32, #tpu.memory_space<vmem>>, vector<16xi32>,
      %add3A_637 = arith.constant 160 : i32
      %add3A_638 = vector.broadcast %add3A_637 : i32 to vector<16xi32>
      %add3A_639 = arith.addi %iota3A, %add3A_638 : vector<16xi32>
      tpu.vector_store_idx %arg6[%get3A_636, %add3A_639], %broadcast_in_dim3A_6 : memref<101x256xf32, #tpu.memory_space<vmem>>[vector<16xi32>, vector<16xi32>], vector<16xf32>,
      %get3A_640 = arith.constant 176 : index
      %get3A_641 = tpu.vector_load %arg8[%get3A_640] {strides = array<i32>} : memref<256xi32, #tpu.memory_space<vmem>>, vector<16xi32>,
      %add3A_642 = arith.constant 176 : i32
      %add3A_643 = vector.broadcast %add3A_642 : i32 to vector<16xi32>
      %add3A_644 = arith.addi %iota3A, %add3A_643 : vector<16xi32>
      tpu.vector_store_idx %arg6[%get3A_641, %add3A_644], %broadcast_in_dim3A_6 : memref<101x256xf32, #tpu.memory_space<vmem>>[vector<16xi32>, vector<16xi32>], vector<16xf32>,
      %get3A_645 = arith.constant 192 : index
      %get3A_646 = tpu.vector_load %arg8[%get3A_645] {strides = array<i32>} : memref<256xi32, #tpu.memory_space<vmem>>, vector<16xi32>,
      %add3A_647 = arith.constant 192 : i32
      %add3A_648 = vector.broadcast %add3A_647 : i32 to vector<16xi32>
      %add3A_649 = arith.addi %iota3A, %add3A_648 : vector<16xi32>
      tpu.vector_store_idx %arg6[%get3A_646, %add3A_649], %broadcast_in_dim3A_6 : memref<101x256xf32, #tpu.memory_space<vmem>>[vector<16xi32>, vector<16xi32>], vector<16xf32>,
      %get3A_650 = arith.constant 208 : index
      %get3A_651 = tpu.vector_load %arg8[%get3A_650] {strides = array<i32>} : memref<256xi32, #tpu.memory_space<vmem>>, vector<16xi32>,
      %add3A_652 = arith.constant 208 : i32
      %add3A_653 = vector.broadcast %add3A_652 : i32 to vector<16xi32>
      %add3A_654 = arith.addi %iota3A, %add3A_653 : vector<16xi32>
      tpu.vector_store_idx %arg6[%get3A_651, %add3A_654], %broadcast_in_dim3A_6 : memref<101x256xf32, #tpu.memory_space<vmem>>[vector<16xi32>, vector<16xi32>], vector<16xf32>,
      %get3A_655 = arith.constant 224 : index
      %get3A_656 = tpu.vector_load %arg8[%get3A_655] {strides = array<i32>} : memref<256xi32, #tpu.memory_space<vmem>>, vector<16xi32>,
      %add3A_657 = arith.constant 224 : i32
      %add3A_658 = vector.broadcast %add3A_657 : i32 to vector<16xi32>
      %add3A_659 = arith.addi %iota3A, %add3A_658 : vector<16xi32>
      tpu.vector_store_idx %arg6[%get3A_656, %add3A_659], %broadcast_in_dim3A_6 : memref<101x256xf32, #tpu.memory_space<vmem>>[vector<16xi32>, vector<16xi32>], vector<16xf32>,
      %get3A_660 = arith.constant 240 : index
      %get3A_661 = tpu.vector_load %arg8[%get3A_660] {strides = array<i32>} : memref<256xi32, #tpu.memory_space<vmem>>, vector<16xi32>,
      %add3A_662 = arith.constant 240 : i32
      %add3A_663 = vector.broadcast %add3A_662 : i32 to vector<16xi32>
      %add3A_664 = arith.addi %iota3A, %add3A_663 : vector<16xi32>
      tpu.vector_store_idx %arg6[%get3A_661, %add3A_664], %broadcast_in_dim3A_6 : memref<101x256xf32, #tpu.memory_space<vmem>>[vector<16xi32>, vector<16xi32>], vector<16xf32>,
      %get3A_665 = arith.index_cast %scan3A_350 : i32 to index
      %get3A_666 = arith.constant 256 : index
      %get3A_667 = tpu.vector_load %arg4[%get3A_665, %get3A_666] {strides = array<i32>} : memref<50x512xi32, #tpu.memory_space<vmem>>, vector<16xi32>,
      %swap3A_668 = arith.constant 0 : index
      %swap3A_669 = tpu.vector_load %arg8[%swap3A_668] {strides = array<i32>} : memref<256xi32, #tpu.memory_space<vmem>>, vector<16xi32>,
      tpu.vector_store %arg8[%swap3A_668], %get3A_667 {strides = array<i32>} : memref<256xi32, #tpu.memory_space<vmem>>, vector<16xi32>,
      %add3A_670 = arith.constant 0 : i32
      %add3A_671 = vector.broadcast %add3A_670 : i32 to vector<16xi32>
      %add3A_672 = arith.addi %iota3A, %add3A_671 : vector<16xi32>
      tpu.vector_store_idx %arg6[%get3A_667, %add3A_672], %broadcast_in_dim3A_8 : memref<101x256xf32, #tpu.memory_space<vmem>>[vector<16xi32>, vector<16xi32>], vector<16xf32>,
      %get3A_673 = arith.index_cast %scan3A_350 : i32 to index
      %get3A_674 = arith.constant 272 : index
      %get3A_675 = tpu.vector_load %arg4[%get3A_673, %get3A_674] {strides = array<i32>} : memref<50x512xi32, #tpu.memory_space<vmem>>, vector<16xi32>,
      %swap3A_676 = arith.constant 16 : index
      %swap3A_677 = tpu.vector_load %arg8[%swap3A_676] {strides = array<i32>} : memref<256xi32, #tpu.memory_space<vmem>>, vector<16xi32>,
      tpu.vector_store %arg8[%swap3A_676], %get3A_675 {strides = array<i32>} : memref<256xi32, #tpu.memory_space<vmem>>, vector<16xi32>,
      %add3A_678 = arith.constant 16 : i32
      %add3A_679 = vector.broadcast %add3A_678 : i32 to vector<16xi32>
      %add3A_680 = arith.addi %iota3A, %add3A_679 : vector<16xi32>
      tpu.vector_store_idx %arg6[%get3A_675, %add3A_680], %broadcast_in_dim3A_8 : memref<101x256xf32, #tpu.memory_space<vmem>>[vector<16xi32>, vector<16xi32>], vector<16xf32>,
      %get3A_681 = arith.index_cast %scan3A_350 : i32 to index
      %get3A_682 = arith.constant 288 : index
      %get3A_683 = tpu.vector_load %arg4[%get3A_681, %get3A_682] {strides = array<i32>} : memref<50x512xi32, #tpu.memory_space<vmem>>, vector<16xi32>,
      %swap3A_684 = arith.constant 32 : index
      %swap3A_685 = tpu.vector_load %arg8[%swap3A_684] {strides = array<i32>} : memref<256xi32, #tpu.memory_space<vmem>>, vector<16xi32>,
      tpu.vector_store %arg8[%swap3A_684], %get3A_683 {strides = array<i32>} : memref<256xi32, #tpu.memory_space<vmem>>, vector<16xi32>,
      %add3A_686 = arith.constant 32 : i32
      %add3A_687 = vector.broadcast %add3A_686 : i32 to vector<16xi32>
      %add3A_688 = arith.addi %iota3A, %add3A_687 : vector<16xi32>
      tpu.vector_store_idx %arg6[%get3A_683, %add3A_688], %broadcast_in_dim3A_8 : memref<101x256xf32, #tpu.memory_space<vmem>>[vector<16xi32>, vector<16xi32>], vector<16xf32>,
      %get3A_689 = arith.index_cast %scan3A_350 : i32 to index
      %get3A_690 = arith.constant 304 : index
      %get3A_691 = tpu.vector_load %arg4[%get3A_689, %get3A_690] {strides = array<i32>} : memref<50x512xi32, #tpu.memory_space<vmem>>, vector<16xi32>,
      %swap3A_692 = arith.constant 48 : index
      %swap3A_693 = tpu.vector_load %arg8[%swap3A_692] {strides = array<i32>} : memref<256xi32, #tpu.memory_space<vmem>>, vector<16xi32>,
      tpu.vector_store %arg8[%swap3A_692], %get3A_691 {strides = array<i32>} : memref<256xi32, #tpu.memory_space<vmem>>, vector<16xi32>,
      %add3A_694 = arith.constant 48 : i32
      %add3A_695 = vector.broadcast %add3A_694 : i32 to vector<16xi32>
      %add3A_696 = arith.addi %iota3A, %add3A_695 : vector<16xi32>
      tpu.vector_store_idx %arg6[%get3A_691, %add3A_696], %broadcast_in_dim3A_8 : memref<101x256xf32, #tpu.memory_space<vmem>>[vector<16xi32>, vector<16xi32>], vector<16xf32>,
      %get3A_697 = arith.index_cast %scan3A_350 : i32 to index
      %get3A_698 = arith.constant 320 : index
      %get3A_699 = tpu.vector_load %arg4[%get3A_697, %get3A_698] {strides = array<i32>} : memref<50x512xi32, #tpu.memory_space<vmem>>, vector<16xi32>,
      %swap3A_700 = arith.constant 64 : index
      %swap3A_701 = tpu.vector_load %arg8[%swap3A_700] {strides = array<i32>} : memref<256xi32, #tpu.memory_space<vmem>>, vector<16xi32>,
      tpu.vector_store %arg8[%swap3A_700], %get3A_699 {strides = array<i32>} : memref<256xi32, #tpu.memory_space<vmem>>, vector<16xi32>,
      %add3A_702 = arith.constant 64 : i32
      %add3A_703 = vector.broadcast %add3A_702 : i32 to vector<16xi32>
      %add3A_704 = arith.addi %iota3A, %add3A_703 : vector<16xi32>
      tpu.vector_store_idx %arg6[%get3A_699, %add3A_704], %broadcast_in_dim3A_8 : memref<101x256xf32, #tpu.memory_space<vmem>>[vector<16xi32>, vector<16xi32>], vector<16xf32>,
      %get3A_705 = arith.index_cast %scan3A_350 : i32 to index
      %get3A_706 = arith.constant 336 : index
      %get3A_707 = tpu.vector_load %arg4[%get3A_705, %get3A_706] {strides = array<i32>} : memref<50x512xi32, #tpu.memory_space<vmem>>, vector<16xi32>,
      %swap3A_708 = arith.constant 80 : index
      %swap3A_709 = tpu.vector_load %arg8[%swap3A_708] {strides = array<i32>} : memref<256xi32, #tpu.memory_space<vmem>>, vector<16xi32>,
      tpu.vector_store %arg8[%swap3A_708], %get3A_707 {strides = array<i32>} : memref<256xi32, #tpu.memory_space<vmem>>, vector<16xi32>,
      %add3A_710 = arith.constant 80 : i32
      %add3A_711 = vector.broadcast %add3A_710 : i32 to vector<16xi32>
      %add3A_712 = arith.addi %iota3A, %add3A_711 : vector<16xi32>
      tpu.vector_store_idx %arg6[%get3A_707, %add3A_712], %broadcast_in_dim3A_8 : memref<101x256xf32, #tpu.memory_space<vmem>>[vector<16xi32>, vector<16xi32>], vector<16xf32>,
      %get3A_713 = arith.index_cast %scan3A_350 : i32 to index
      %get3A_714 = arith.constant 352 : index
      %get3A_715 = tpu.vector_load %arg4[%get3A_713, %get3A_714] {strides = array<i32>} : memref<50x512xi32, #tpu.memory_space<vmem>>, vector<16xi32>,
      %swap3A_716 = arith.constant 96 : index
      %swap3A_717 = tpu.vector_load %arg8[%swap3A_716] {strides = array<i32>} : memref<256xi32, #tpu.memory_space<vmem>>, vector<16xi32>,
      tpu.vector_store %arg8[%swap3A_716], %get3A_715 {strides = array<i32>} : memref<256xi32, #tpu.memory_space<vmem>>, vector<16xi32>,
      %add3A_718 = arith.constant 96 : i32
      %add3A_719 = vector.broadcast %add3A_718 : i32 to vector<16xi32>
      %add3A_720 = arith.addi %iota3A, %add3A_719 : vector<16xi32>
      tpu.vector_store_idx %arg6[%get3A_715, %add3A_720], %broadcast_in_dim3A_8 : memref<101x256xf32, #tpu.memory_space<vmem>>[vector<16xi32>, vector<16xi32>], vector<16xf32>,
      %get3A_721 = arith.index_cast %scan3A_350 : i32 to index
      %get3A_722 = arith.constant 368 : index
      %get3A_723 = tpu.vector_load %arg4[%get3A_721, %get3A_722] {strides = array<i32>} : memref<50x512xi32, #tpu.memory_space<vmem>>, vector<16xi32>,
      %swap3A_724 = arith.constant 112 : index
      %swap3A_725 = tpu.vector_load %arg8[%swap3A_724] {strides = array<i32>} : memref<256xi32, #tpu.memory_space<vmem>>, vector<16xi32>,
      tpu.vector_store %arg8[%swap3A_724], %get3A_723 {strides = array<i32>} : memref<256xi32, #tpu.memory_space<vmem>>, vector<16xi32>,
      %add3A_726 = arith.constant 112 : i32
      %add3A_727 = vector.broadcast %add3A_726 : i32 to vector<16xi32>
      %add3A_728 = arith.addi %iota3A, %add3A_727 : vector<16xi32>
      tpu.vector_store_idx %arg6[%get3A_723, %add3A_728], %broadcast_in_dim3A_8 : memref<101x256xf32, #tpu.memory_space<vmem>>[vector<16xi32>, vector<16xi32>], vector<16xf32>,
      %get3A_729 = arith.index_cast %scan3A_350 : i32 to index
      %get3A_730 = arith.constant 384 : index
      %get3A_731 = tpu.vector_load %arg4[%get3A_729, %get3A_730] {strides = array<i32>} : memref<50x512xi32, #tpu.memory_space<vmem>>, vector<16xi32>,
      %swap3A_732 = arith.constant 128 : index
      %swap3A_733 = tpu.vector_load %arg8[%swap3A_732] {strides = array<i32>} : memref<256xi32, #tpu.memory_space<vmem>>, vector<16xi32>,
      tpu.vector_store %arg8[%swap3A_732], %get3A_731 {strides = array<i32>} : memref<256xi32, #tpu.memory_space<vmem>>, vector<16xi32>,
      %add3A_734 = arith.constant 128 : i32
      %add3A_735 = vector.broadcast %add3A_734 : i32 to vector<16xi32>
      %add3A_736 = arith.addi %iota3A, %add3A_735 : vector<16xi32>
      tpu.vector_store_idx %arg6[%get3A_731, %add3A_736], %broadcast_in_dim3A_8 : memref<101x256xf32, #tpu.memory_space<vmem>>[vector<16xi32>, vector<16xi32>], vector<16xf32>,
      %get3A_737 = arith.index_cast %scan3A_350 : i32 to index
      %get3A_738 = arith.constant 400 : index
      %get3A_739 = tpu.vector_load %arg4[%get3A_737, %get3A_738] {strides = array<i32>} : memref<50x512xi32, #tpu.memory_space<vmem>>, vector<16xi32>,
      %swap3A_740 = arith.constant 144 : index
      %swap3A_741 = tpu.vector_load %arg8[%swap3A_740] {strides = array<i32>} : memref<256xi32, #tpu.memory_space<vmem>>, vector<16xi32>,
      tpu.vector_store %arg8[%swap3A_740], %get3A_739 {strides = array<i32>} : memref<256xi32, #tpu.memory_space<vmem>>, vector<16xi32>,
      %add3A_742 = arith.constant 144 : i32
      %add3A_743 = vector.broadcast %add3A_742 : i32 to vector<16xi32>
      %add3A_744 = arith.addi %iota3A, %add3A_743 : vector<16xi32>
      tpu.vector_store_idx %arg6[%get3A_739, %add3A_744], %broadcast_in_dim3A_8 : memref<101x256xf32, #tpu.memory_space<vmem>>[vector<16xi32>, vector<16xi32>], vector<16xf32>,
      %get3A_745 = arith.index_cast %scan3A_350 : i32 to index
      %get3A_746 = arith.constant 416 : index
      %get3A_747 = tpu.vector_load %arg4[%get3A_745, %get3A_746] {strides = array<i32>} : memref<50x512xi32, #tpu.memory_space<vmem>>, vector<16xi32>,
      %swap3A_748 = arith.constant 160 : index
      %swap3A_749 = tpu.vector_load %arg8[%swap3A_748] {strides = array<i32>} : memref<256xi32, #tpu.memory_space<vmem>>, vector<16xi32>,
      tpu.vector_store %arg8[%swap3A_748], %get3A_747 {strides = array<i32>} : memref<256xi32, #tpu.memory_space<vmem>>, vector<16xi32>,
      %add3A_750 = arith.constant 160 : i32
      %add3A_751 = vector.broadcast %add3A_750 : i32 to vector<16xi32>
      %add3A_752 = arith.addi %iota3A, %add3A_751 : vector<16xi32>
      tpu.vector_store_idx %arg6[%get3A_747, %add3A_752], %broadcast_in_dim3A_8 : memref<101x256xf32, #tpu.memory_space<vmem>>[vector<16xi32>, vector<16xi32>], vector<16xf32>,
      %get3A_753 = arith.index_cast %scan3A_350 : i32 to index
      %get3A_754 = arith.constant 432 : index
      %get3A_755 = tpu.vector_load %arg4[%get3A_753, %get3A_754] {strides = array<i32>} : memref<50x512xi32, #tpu.memory_space<vmem>>, vector<16xi32>,
      %swap3A_756 = arith.constant 176 : index
      %swap3A_757 = tpu.vector_load %arg8[%swap3A_756] {strides = array<i32>} : memref<256xi32, #tpu.memory_space<vmem>>, vector<16xi32>,
      tpu.vector_store %arg8[%swap3A_756], %get3A_755 {strides = array<i32>} : memref<256xi32, #tpu.memory_space<vmem>>, vector<16xi32>,
      %add3A_758 = arith.constant 176 : i32
      %add3A_759 = vector.broadcast %add3A_758 : i32 to vector<16xi32>
      %add3A_760 = arith.addi %iota3A, %add3A_759 : vector<16xi32>
      tpu.vector_store_idx %arg6[%get3A_755, %add3A_760], %broadcast_in_dim3A_8 : memref<101x256xf32, #tpu.memory_space<vmem>>[vector<16xi32>, vector<16xi32>], vector<16xf32>,
      %get3A_761 = arith.index_cast %scan3A_350 : i32 to index
      %get3A_762 = arith.constant 448 : index
      %get3A_763 = tpu.vector_load %arg4[%get3A_761, %get3A_762] {strides = array<i32>} : memref<50x512xi32, #tpu.memory_space<vmem>>, vector<16xi32>,
      %swap3A_764 = arith.constant 192 : index
      %swap3A_765 = tpu.vector_load %arg8[%swap3A_764] {strides = array<i32>} : memref<256xi32, #tpu.memory_space<vmem>>, vector<16xi32>,
      tpu.vector_store %arg8[%swap3A_764], %get3A_763 {strides = array<i32>} : memref<256xi32, #tpu.memory_space<vmem>>, vector<16xi32>,
      %add3A_766 = arith.constant 192 : i32
      %add3A_767 = vector.broadcast %add3A_766 : i32 to vector<16xi32>
      %add3A_768 = arith.addi %iota3A, %add3A_767 : vector<16xi32>
      tpu.vector_store_idx %arg6[%get3A_763, %add3A_768], %broadcast_in_dim3A_8 : memref<101x256xf32, #tpu.memory_space<vmem>>[vector<16xi32>, vector<16xi32>], vector<16xf32>,
      %get3A_769 = arith.index_cast %scan3A_350 : i32 to index
      %get3A_770 = arith.constant 464 : index
      %get3A_771 = tpu.vector_load %arg4[%get3A_769, %get3A_770] {strides = array<i32>} : memref<50x512xi32, #tpu.memory_space<vmem>>, vector<16xi32>,
      %swap3A_772 = arith.constant 208 : index
      %swap3A_773 = tpu.vector_load %arg8[%swap3A_772] {strides = array<i32>} : memref<256xi32, #tpu.memory_space<vmem>>, vector<16xi32>,
      tpu.vector_store %arg8[%swap3A_772], %get3A_771 {strides = array<i32>} : memref<256xi32, #tpu.memory_space<vmem>>, vector<16xi32>,
      %add3A_774 = arith.constant 208 : i32
      %add3A_775 = vector.broadcast %add3A_774 : i32 to vector<16xi32>
      %add3A_776 = arith.addi %iota3A, %add3A_775 : vector<16xi32>
      tpu.vector_store_idx %arg6[%get3A_771, %add3A_776], %broadcast_in_dim3A_8 : memref<101x256xf32, #tpu.memory_space<vmem>>[vector<16xi32>, vector<16xi32>], vector<16xf32>,
      %get3A_777 = arith.index_cast %scan3A_350 : i32 to index
      %get3A_778 = arith.constant 480 : index
      %get3A_779 = tpu.vector_load %arg4[%get3A_777, %get3A_778] {strides = array<i32>} : memref<50x512xi32, #tpu.memory_space<vmem>>, vector<16xi32>,
      %swap3A_780 = arith.constant 224 : index
      %swap3A_781 = tpu.vector_load %arg8[%swap3A_780] {strides = array<i32>} : memref<256xi32, #tpu.memory_space<vmem>>, vector<16xi32>,
      tpu.vector_store %arg8[%swap3A_780], %get3A_779 {strides = array<i32>} : memref<256xi32, #tpu.memory_space<vmem>>, vector<16xi32>,
      %add3A_782 = arith.constant 224 : i32
      %add3A_783 = vector.broadcast %add3A_782 : i32 to vector<16xi32>
      %add3A_784 = arith.addi %iota3A, %add3A_783 : vector<16xi32>
      tpu.vector_store_idx %arg6[%get3A_779, %add3A_784], %broadcast_in_dim3A_8 : memref<101x256xf32, #tpu.memory_space<vmem>>[vector<16xi32>, vector<16xi32>], vector<16xf32>,
      %get3A_785 = arith.index_cast %scan3A_350 : i32 to index
      %get3A_786 = arith.constant 496 : index
      %get3A_787 = tpu.vector_load %arg4[%get3A_785, %get3A_786] {strides = array<i32>} : memref<50x512xi32, #tpu.memory_space<vmem>>, vector<16xi32>,
      %swap3A_788 = arith.constant 240 : index
      %swap3A_789 = tpu.vector_load %arg8[%swap3A_788] {strides = array<i32>} : memref<256xi32, #tpu.memory_space<vmem>>, vector<16xi32>,
      tpu.vector_store %arg8[%swap3A_788], %get3A_787 {strides = array<i32>} : memref<256xi32, #tpu.memory_space<vmem>>, vector<16xi32>,
      %add3A_790 = arith.constant 240 : i32
      %add3A_791 = vector.broadcast %add3A_790 : i32 to vector<16xi32>
      %add3A_792 = arith.addi %iota3A, %add3A_791 : vector<16xi32>
      tpu.vector_store_idx %arg6[%get3A_787, %add3A_792], %broadcast_in_dim3A_8 : memref<101x256xf32, #tpu.memory_space<vmem>>[vector<16xi32>, vector<16xi32>], vector<16xf32>,
      %add3A_793 = arith.constant 256 : i32
      %add3A_794 = arith.addi %mul3A_2, %add3A_793 : i32
      %dma_start3A_795 = arith.constant 0 : i32
      %dma_start3A_796 = tpu.memref_slice %arg3[%scan3A_350, %dma_start3A_795, %add3A_794] : memref<50x101x16384xf32, #tpu.memory_space<hbm>> -> memref<1x101x256xf32, #tpu.memory_space<hbm>>
      %dma_start3A_797 = tpu.memref_squeeze %dma_start3A_796 : memref<1x101x256xf32, #tpu.memory_space<hbm>> -> memref<101x256xf32, #tpu.memory_space<hbm>>
      %dma_start3A_798 = arith.constant 0 : i32
      %dma_start3A_799 = tpu.memref_slice %arg3[%scan3A_350, %dma_start3A_798, %add3A_794] : memref<50x101x16384xf32, #tpu.memory_space<hbm>> -> memref<1x101x256xf32, #tpu.memory_space<hbm>>
      %dma_start3A_800 = tpu.memref_squeeze %dma_start3A_799 : memref<1x101x256xf32, #tpu.memory_space<hbm>> -> memref<101x256xf32, #tpu.memory_space<hbm>>
      tpu.enqueue_dma source(%arg6 : memref<101x256xf32, #tpu.memory_space<vmem>>) target(%dma_start3A_800 : memref<101x256xf32, #tpu.memory_space<hbm>>) target_semaphore(%arg10 : memref<!tpu.dma_semaphore, #tpu.memory_space<semaphore_mem>>)
    }
    %scan3A_331 = arith.constant 49 : i32
    %dma_wait3A_332 = arith.constant 0 : i32
    %dma_wait3A_333 = arith.constant 0 : i32
    %dma_wait3A_334 = arith.constant 0 : i32
    %dma_wait3A_335 = tpu.memref_slice %arg3[%dma_wait3A_332, %dma_wait3A_333, %dma_wait3A_334] : memref<50x101x16384xf32, #tpu.memory_space<hbm>> -> memref<1x101x256xf32, #tpu.memory_space<hbm>>
    %dma_wait3A_336 = tpu.memref_squeeze %dma_wait3A_335 : memref<1x101x256xf32, #tpu.memory_space<hbm>> -> memref<101x256xf32, #tpu.memory_space<hbm>>
    %dma_wait3A_337 = arith.constant 0 : i32
    %dma_wait3A_338 = arith.constant 0 : i32
    %dma_wait3A_339 = tpu.memref_slice %arg3[%dma_wait3A_332, %dma_wait3A_337, %dma_wait3A_338] : memref<50x101x16384xf32, #tpu.memory_space<hbm>> -> memref<1x101x256xf32, #tpu.memory_space<hbm>>
    %dma_wait3A_340 = tpu.memref_squeeze %dma_wait3A_339 : memref<1x101x256xf32, #tpu.memory_space<hbm>> -> memref<101x256xf32, #tpu.memory_space<hbm>>
    tpu.wait_dma2 semaphore(%arg9 : memref<!tpu.dma_semaphore, #tpu.memory_space<semaphore_mem>>) src(%arg5 : memref<101x256xf32, #tpu.memory_space<vmem>>) dst(%dma_wait3A_340 : memref<101x256xf32, #tpu.memory_space<hbm>>)
    %dma_wait3A_341 = arith.constant 0 : i32
    %dma_wait3A_342 = arith.constant 0 : i32
    %dma_wait3A_343 = arith.constant 0 : i32
    %dma_wait3A_344 = tpu.memref_slice %arg3[%dma_wait3A_341, %dma_wait3A_342, %dma_wait3A_343] : memref<50x101x16384xf32, #tpu.memory_space<hbm>> -> memref<1x101x256xf32, #tpu.memory_space<hbm>>
    %dma_wait3A_345 = tpu.memref_squeeze %dma_wait3A_344 : memref<1x101x256xf32, #tpu.memory_space<hbm>> -> memref<101x256xf32, #tpu.memory_space<hbm>>
    %dma_wait3A_346 = arith.constant 0 : i32
    %dma_wait3A_347 = arith.constant 0 : i32
    %dma_wait3A_348 = tpu.memref_slice %arg3[%dma_wait3A_341, %dma_wait3A_346, %dma_wait3A_347] : memref<50x101x16384xf32, #tpu.memory_space<hbm>> -> memref<1x101x256xf32, #tpu.memory_space<hbm>>
    %dma_wait3A_349 = tpu.memref_squeeze %dma_wait3A_348 : memref<1x101x256xf32, #tpu.memory_space<hbm>> -> memref<101x256xf32, #tpu.memory_space<hbm>>
    tpu.wait_dma2 semaphore(%arg10 : memref<!tpu.dma_semaphore, #tpu.memory_space<semaphore_mem>>) src(%arg6 : memref<101x256xf32, #tpu.memory_space<vmem>>) dst(%dma_wait3A_349 : memref<101x256xf32, #tpu.memory_space<hbm>>)
    return
  }
}

</mosaic_0001>

<sc_bundles>
// kernel: _one_hot_sc.3.cloned.1.call-start
scs
__scs_entry_jumppad:
0x0: {  	(pc) =	sbr.rel $0x88, $3  }
0x1: {  	(tag) =	ssettag $0x0;
	lr =	simm.s32 $0x1  }
0x2: {  	[smem:$0x3FA0] =	sst lr;
	_ =	strace $0xD0000000  }
0x3: {  	_ = 	snop  }
0x4: {  	_ = 	snop  }
0x5: {  	_ = 	snop  }
0x6: {  	_ = 	snop  }
0x7: {  	_ = 	snop  }
__scs_overlays_trampoline_lowered:
0x8: {  	[smem:$0x3FAF] =	sst s0  }
0x9: {  	[smem:$0x3FB0] =	sst s1  }
0xa: {  	[smem:$0x3FB1] =	sst s2  }
0xb: {  	[smem:$0x3FB2] =	sst s3  }
0xc: {  	[smem:$0x3FB3] =	sst s4  }
0xd: {  	[smem:$0x3FB4] =	sst s5  }
0xe: {  	[smem:$0x3FB5] =	sst s6  }
0xf: {  	[smem:$0x3FB6] =	sst s7  }
0x10: {  	[smem:$0x3FB7] =	sst s8  }
0x11: {  	[smem:$0x3FB8] =	sst s9;
	s0 =	simm.s32 @!p0 $0x0  }
0x12: {  	s1 =	sld [smem:$0x3F9E];
	s0 =	simm.s32 @p0 $0x1  }
0x13: {  	[smem:$0x3FB9] =	sst s0;
	s0 =	simm.s32 @!p1 $0x0  }
0x14: {  	s2 =	sld [smem:$0x3F9D];
	s0 =	simm.s32 @p1 $0x1  }
0x15: {  	[smem:$0x3FBA] =	sst s0;
	s0 =	simm.s32 @!p2 $0x0  }
0x16: {  	s3 =	sld [smem:$0x3FDB];
	s0 =	simm.s32 @p2 $0x1  }
0x17: {  	s4 =	simm.s32 $0x1BF5;
	[smem:$0x3FBC] =	sst s0  }
0x18: {  	s0 =	sld [smem:$0x3F9F];
	_ =	swait.ge [sflag:s4], $0x0  }
0x19: {  	s7 =	sld [smem:$0x3FA0]  }
0x1a: {  	s8 =	sadd.s32 $0xFFFFE003, lr  }
0x1b: {  	s9 =	sadd.s32 $0xFFFFFEF7, lr;
	s5 =	simm.s32 $0xFFFFFFFF;
	p2 =	slt.u32 s8, $0xFFFFF086  }
0x1c: {  	p1 =	slt.u32 s9, $0xF7A;
	s5 =	simm.s32 @!p2 $0x0  }
0x1d: {  	s5 =	simm.s32 @p1 $0x1;
	p0 =	seq.s32 s7, s2  }
0x1e: {  	s7 =	smul.u32 @!p0 $0xF7A, s2;
	p2 =	seq.s32 @!p0 s5, $0x0  }
0x1f: {  	s9 =	smul.u32 $0xF7A, s1;
	s8 =	simm.s32 @!p0 $0x1BF5;
	p2 =	por !p2, p0  }
0x20: {  	[sflag:s8] =	ssyncset.s32 @!p0 $0xFFFFF086;
	s6 =	sadd.s32 @!p0 s3, s7;
	s7 =	simm.s32 @!p0 $0x108  }
0x21: {  	s3 =	sadd.s32 s3, s9;
	s6 =	sadd.s32 @!p0 $0x88, s6;
	s7 =	simm.s32 @p2 $0x1082  }
0x22: {  	[simem:s7], [sflag:s8] =	dma.local @!p0 [hbm:s6], $0xF7A  }
0x23: {  	s9 =	sor.u32 $0xD0000000, s2;
	s6 =	simm.s32 $0x108;
	_ =	swait.ge @!p0 [sflag:s8], $0x0  }
0x24: {  	s3 =	sadd.s32 $0x88, s3;
	s6 =	simm.s32 @!p1 $0x1082;
	[sflag:s4] =	ssyncset.s32 $0xFFFFF086  }
0x25: {  	[simem:s6], [sflag:s4] =	dma.local [hbm:s3], $0xF7A  }
0x26: {  	[smem:$0x3FA0] =	sst s1;
	(tag) =	ssettag s2;
	_ =	strace s9  }
0x27: {  	s1 =	sld [smem:$0x3FB0]  }
0x28: {  	s2 =	sld [smem:$0x3FB1]  }
0x29: {  	s4 =	sld [smem:$0x3FB3]  }
0x2a: {  	p0 =	seq.s32 s5, $0x0;
	s5 =	sld [smem:$0x3FB4]  }
0x2b: {  	s6 =	sld [smem:$0x3FB5]  }
0x2c: {  	s7 =	sld [smem:$0x3FB6]  }
0x2d: {  	s3 =	simm.s32 $0x108;
	s8 =	sld [smem:$0x3FB7]  }
0x2e: {  	s3 =	simm.s32 @!p0 $0x1082;
	s9 =	sld [smem:$0x3FB8]  }
0x2f: {  	lr =	sadd.s32 s0, s3;
	s0 =	sld [smem:$0x3FAF]  }
0x30: {  	s3 =	sld [smem:$0x3FB2]  }
0x31: {  	[smem:$0x3FBB] =	sst s10  }
0x32: {  	s10 =	sld [smem:$0x3FB9];
	_ =	sdelay $0x3  }
0x33: {  	p0 =	seq.s32 s10, $0x1;
	s10 =	sld [smem:$0x3FBB];
	_ =	sdelay $0x3  }
0x34: {  	[smem:$0x3FBB] =	sst s10  }
0x35: {  	s10 =	sld [smem:$0x3FBA];
	_ =	sdelay $0x3  }
0x36: {  	p1 =	seq.s32 s10, $0x1;
	s10 =	sld [smem:$0x3FBB];
	_ =	sdelay $0x3  }
0x37: {  	[smem:$0x3FBB] =	sst s10  }
0x38: {  	s10 =	sld [smem:$0x3FBC]  }
0x39: {  	_ = 	snop;
	(pc) =	sbr.ind lr, $3  }
0x3a: {  	_ = 	snop  }
0x3b: {  	_ = 	snop  }
0x3c: {  	p2 =	seq.s32 s10, $0x1;
	s10 =	sld [smem:$0x3FBB]  }
0x3d: {  	_ =	shalt  }
0x3e: {  	_ =	shalt  }
0x3f: {  	_ =	shalt  }
0x40: {  	_ =	shalt  }
0x41: {  	_ =	shalt  }
0x42: {  	_ =	shalt  }
0x43: {  	_ =	shalt  }
0x44: {  	_ =	shalt  }
0x45: {  	_ =	shalt  }
0x46: {  	_ =	shalt  }
0x47: {  	_ =	shalt  }
0x48: {  	_ =	shalt  }
0x49: {  	_ =	shalt  }
0x4a: {  	_ =	shalt  }
0x4b: {  	_ =	shalt  }
0x4c: {  	_ =	shalt  }
0x4d: {  	_ =	shalt  }
0x4e: {  	_ =	shalt  }
0x4f: {  	_ =	shalt  }
0x50: {  	_ =	shalt  }
0x51: {  	_ =	shalt  }
0x52: {  	_ =	shalt  }
0x53: {  	_ =	shalt  }
0x54: {  	_ =	shalt  }
0x55: {  	_ =	shalt  }
0x56: {  	_ =	shalt  }
0x57: {  	_ =	shalt  }
0x58: {  	_ =	shalt  }
0x59: {  	_ =	shalt  }
0x5a: {  	_ =	shalt  }
0x5b: {  	_ =	shalt  }
0x5c: {  	_ =	shalt  }
0x5d: {  	_ =	shalt  }
0x5e: {  	_ =	shalt  }
0x5f: {  	_ =	shalt  }
0x60: {  	_ =	shalt  }
0x61: {  	_ =	shalt  }
0x62: {  	_ =	shalt  }
0x63: {  	_ =	shalt  }
0x64: {  	_ =	shalt  }
0x65: {  	_ =	shalt  }
0x66: {  	_ =	shalt  }
0x67: {  	_ =	shalt  }
0x68: {  	_ =	shalt  }
0x69: {  	_ =	shalt  }
0x6a: {  	_ =	shalt  }
0x6b: {  	_ =	shalt  }
0x6c: {  	_ =	shalt  }
0x6d: {  	_ =	shalt  }
0x6e: {  	_ =	shalt  }
0x6f: {  	_ =	shalt  }
0x70: {  	_ =	shalt  }
0x71: {  	_ =	shalt  }
0x72: {  	_ =	shalt  }
0x73: {  	_ =	shalt  }
0x74: {  	_ =	shalt  }
0x75: {  	_ =	shalt  }
0x76: {  	_ =	shalt  }
0x77: {  	_ =	shalt  }
0x78: {  	_ =	shalt  }
0x79: {  	_ =	shalt  }
0x7a: {  	_ =	shalt  }
0x7b: {  	_ =	shalt  }
0x7c: {  	_ =	shalt  }
0x7d: {  	_ =	shalt  }
0x7e: {  	_ =	shalt  }
0x7f: {  	_ =	shalt  }
0x80: {  	_ =	shalt  }
0x81: {  	_ =	shalt  }
0x82: {  	_ =	shalt  }
0x83: {  	_ =	shalt  }
0x84: {  	_ =	shalt  }
0x85: {  	_ =	shalt  }
0x86: {  	_ =	shalt  }
0x87: {  	_ =	shalt  }
.Lfunc_end0:
.L_simem_size_0:
called_computation_lowered:
.L_overlay_start_0:
0x88: {  	s2 =	sld [smem:$0x3FD9]  }
0x89: {  	s3 =	sld [smem:$0x3FFE];
	_ =	sdelay $0x1  }
0x8a: {  	s1 =	srdreg.scid  }
0x8b: {  	s0 =	sand.u32 $0x1, s1  }
0x8c: {  	s18 =	sshll.u32 s0, $0xA;
	s2 =	sadd.s32 s3, s2  }
0x8d: {  	s2 =	sadd.s32 s2, s18  }
0x8e: {  	[smem:$0x3FC7] =	sst s2  }
0x8f: {  	_ = 	snop  }
0x90: {  	s2 =	sld [smem:$0x3FC9]  }
0x91: {  	s19 =	sld [smem:$0x3FD0];
	(tm) =	ssettm $0x1  }
0x92: {  	s4 =	sld [smem:$0x3FFB];
	_ =	sdelay $0x3  }
0x93: {  	_ =	strace s4  }
0x94: {  	s4 =	sld [smem:$0x3FFC];
	_ =	sdelay $0x3  }
0x95: {  	_ =	strace s4  }
0x96: {  	s4 =	sld [smem:$0x3FFD];
	_ =	sdelay $0x3  }
0x97: {  	_ =	strace s4  }
0x98: {  	_ =	strace $0x8FFFFFFF  }
0x99: {  	s20 =	sld [smem:$0x3FDB];
	_ =	sdelay $0x1  }
0x9a: {  	s5 =	simm.s32 $_scs_section_size  }
0x9b: {  	s6 =	simm.s32 $_size__tile_overlayer_lowered;
	s7 =	simm.s32 $_tile_overlayer_lowered  }
0x9c: {  	s23 =	simm.s32 $0x1BFF;
	s22 =	sshll.u32 s7, $0x1;
	s4 =	sadd.s32 s5, s20  }
0x9d: {  	s8 =	simm.s32 $0x0;
	s21 =	sshll.u32 s6, $0x1;
	s6 =	sadd.s32 s22, s4  }
0x9e: {  	[timem:s8], [sflag:s23] =	dma.local [hbm:s6], s21  }
0x9f: {  	_ =	swait.ge [sflag:s23], s21  }
0xa0: {  	s5 =	ssub.s32 $0x0, s21;
	[sflag:s23] =	ssyncset.done $0x0  }
0xa1: {  	[sflag:s23] =	ssyncadd.s32 s5;
	_ =	sdelay $0x1  }
0xa2: {  	s24 =	simm.s32 $0x1B8B  }
0xa3: {  	_ =	swait.ge [sflag:s24], $0x1  }
0xa4: {  	[sflag:s24] =	ssyncset.done $0x0  }
0xa5: {  	s25 =	simm.s32 $0x1B8E;
	[sflag:s24] =	ssyncadd.s32 $0xFFFFFFFF  }
0xa6: {  	s26 =	simm.s32 $execute0_lowered;
	[smem:$0x3FD2] =	sst s25  }
0xa7: {  	s5 =	sshll.u32 s26, $0x1;
	_ =	strace $0x80000046;
	[dreg:$0x1] =	wrdreg $0xFFFFFFFF  }
0xa8: {  	s28 =	simm.s32 $_size_execute0_lowered;
	s4 =	sadd.s32 s4, s5;
	[dreg:$0x0] =	wrdreg $0x0  }
0xa9: {  	s5 =	sshll.u32 s28, $0x1;
	[dreg:$0x2] =	wrdreg s4  }
0xaa: {  	[dreg:$0x3] =	wrdreg s5  }
0xab: {  	[dreg:$0x4] =	wrdreg $0xC0  }
0xac: {  	_ =	task [dreg:s8], $0x5FFFF  }
0xad: {  	[dreg:$0x1] =	wrdreg $0xFFFFFFFF  }
0xae: {  	[dreg:$0x0] =	wrdreg $0x60  }
0xaf: {  	[dreg:$0x2] =	wrdreg s2  }
0xb0: {  	[dreg:$0x3] =	wrdreg s19  }
0xb1: {  	[dreg:$0x4] =	wrdreg $0x9  }
0xb2: {  	_ =	task.clear_ibuf [dreg:s8], $0x5FFFF;
	_ =	strace $0x90000046  }
0xb3: {  	s29 =	simm.s32 $0x9;
	_ =	strace $0x80000048  }
0xb4: {  	_ =	swait.ge [sflag:s29], $0x1  }
0xb5: {  	[sflag:s29] =	ssyncadd.s32 $0xFFFFFFFF  }
0xb6: {  	_ =	strace $0x90000048  }
0xb7: {  	_ =	sfence  }
0xb8: {  	s30 =	sld [smem:$0x0];
	_ =	sdelay $0x2  }
0xb9: {  	s31 =	sshll.u32 s1, $0xD;
	s1 =	sshrl.u32 s1, $0x2  }
0xba: {  	s3 =	sand.u32 $0x4000, s31;
	s1 =	sadd.s32 s1, s30  }
0xbb: {  	s0 =	sor.u32 s3, s0;
	s1 =	sshll.u32 s1, $0x11  }
0xbc: {  	s0 =	sor.u32 s1, s0  }
0xbd: {  	s0 =	sadd.s32 $0x8F2B, s0  }
0xbe: {  	[sflag:s0] =	ssyncadd.remote.s32 $0x1  }
0xbf: {  	_ =	sfence.sel $0xFFFF  }
0xc0: {  	[dreg:$0x0] =	wrdreg $0xFFFFFFFF;
	(pc) =	sbr.abs _section_cstart, $3  }
0xc1: {  	[dreg:$0x1] =	wrdreg $0xFFFFFFFF  }
0xc2: {  	_ =	task.clear_ibuf [dreg:s8], $0x2FFFF;
	_ =	strace $0x9FFFFFFF  }
0xc3: {  	(tm) =	ssettm $0x7FFFFFFF  }
tec
execute0_lowered:
.L_overlay_start_1:
0x0: {  	(tag) =	ssettag $0x1  }
0x1: {  	s3 =	rddreg [dreg:$0x0]  }
0x2: {  	s7 =	rddreg [dreg:$0x1]  }
0x3: {  	s0 =	rddreg [dreg:$0x2];
	s1 =	simm.s32 $0x0  }
0x4: {  	s2 =	srdreg.scid;
	s12 =	simm.s32 $0x7000;
	s13 =	simm.s32 $0x800  }
0x5: {  	s14 =	simm.s32 $0xD800;
	s15 =	simm.s32 $0x1;
	s16 =	simm.s32 $0x2  }
0x6: {  	s17 =	simm.s32 $0x0;
	[smem:$0x7FF] =	sst s1;
	s4 =	sand.u32 $0x1, s2  }
0x7: {  	s2 =	stileid.u32;
	_ =	strace $0x80000047;
	s5 =	ssub.s32 $0x2, s4  }
0x8: {  	s8 =	sshll.u32 s2, $0xA;
	s9 =	sshll.u32 s4, $0x9;
	s11 =	sshll.u32 s2, $0xD  }
0x9: {  	v0 =	vimm.f32 $0.0e+00;
	v1 =	vlaneseq.u32;
	v2 =	vimm.f32 $1.000000000e+00;
	s4 =	sshll.u32 s4, $0xC;
	s6 =	sshrl.u32 s5, $0x1;
	s10 =	sor.u32 s9, s8  }
0xa: {  	v3 =	vor.u32 $0x10, v1;
	v4 =	vor.u32 $0x20, v1;
	v5 =	vor.u32 $0x30, v1;
	s30 =	sor.u32 s4, s11;
	s8 =	sadd.s32 s8, s7;
	s11 =	simm.s32 $0x3  }
0xb: {  	v6 =	vor.u32 $0x40, v1;
	v7 =	vor.u32 $0x50, v1;
	v8 =	vor.u32 $0x60, v1;
	s6 =	ssub.s32 s5, s6;
	s3 =	sadd.s32 s3, s10;
	s4 =	sadd.s32 s7, s10  }
0xc: {  	v9 =	vor.u32 $0x70, v1;
	v10 =	vor.u32 $0x400, v1;
	v11 =	vor.u32 $0x410, v1;
	s31 =	sor.u32 $0x1A0800, s30;
	s8 =	sadd.s32 s9, s8;
	s9 =	simm.s32 $0x1000  }
0xd: {  	v12 =	vor.u32 $0x420, v1;
	v13 =	vor.u32 $0x430, v1;
	v14 =	vor.u32 $0x440, v1;
	s5 =	sadd.s32 $0x100, s4;
	s10 =	sshrl.u32 s31, $0x3;
	s6 =	smax.u32 s6, $0x1  }
0xe: {  	v15 =	vor.u32 $0x450, v1;
	v16 =	vor.u32 $0x460, v1;
	v17 =	vor.u32 $0x470, v1;
	s8 =	sadd.s32 $0x34000, s8;
	s7 =	sadd.s32 s10, s7;
	s10 =	simm.s32 $0x20000  }
.LBB2_1:
0xf: {  	[tilespmem:s1], [sflag:$0x3] =	stream.strided.gather [hbm4b:s3+s9], $0x7000, s10, s9, $0x38;
	[tilespmem:$0x14200] =	vst v63  }
0x10: {  	s18 =	sand.u32 $0x7800, s1;
	s19 =	sand.u32 $0x380, s1  }
0x11: {  	s18 =	sor.u32 s19, s18  }
0x12: {  	[tilespmem:s18+$0x7470] =	vst v0  }
0x13: {  	[tilespmem:s18+$0x7000] =	vst v0  }
0x14: {  	[tilespmem:s18+$0x7010] =	vst v0  }
0x15: {  	[tilespmem:s18+$0x7020] =	vst v0  }
0x16: {  	[tilespmem:s18+$0x7030] =	vst v0  }
0x17: {  	[tilespmem:s18+$0x7040] =	vst v0  }
0x18: {  	[tilespmem:s18+$0x7050] =	vst v0  }
0x19: {  	[tilespmem:s18+$0x7060] =	vst v0  }
0x1a: {  	[tilespmem:s18+$0x7070] =	vst v0  }
0x1b: {  	[tilespmem:s18+$0x7400] =	vst v0  }
0x1c: {  	[tilespmem:s18+$0x7410] =	vst v0  }
0x1d: {  	[tilespmem:s18+$0x7420] =	vst v0  }
0x1e: {  	[tilespmem:s18+$0x7430] =	vst v0  }
0x1f: {  	s20 =	simm.s32 $0x100;
	s19 =	simm.s32 $0x80;
	[tilespmem:s18+$0x7440] =	vst v0  }
0x20: {  	s21 =	sand.u32 $0x7800, s20;
	s20 =	simm.s32 $0x200;
	s22 =	sand.u32 $0x380, s19;
	[tilespmem:s18+$0x7450] =	vst v0  }
.LBB2_2:
0x21: {  	p0 =	sne.s32 s20, $0x6400;
	[tilespmem:s18+$0x7460] =	vst v0;
	s18 =	sor.u32 s22, s21  }
0x22: {  	[tilespmem:s18+$0x7470] =	vst v0  }
0x23: {  	[tilespmem:s18+$0x7000] =	vst v0  }
0x24: {  	[tilespmem:s18+$0x7010] =	vst v0  }
0x25: {  	[tilespmem:s18+$0x7020] =	vst v0  }
0x26: {  	[tilespmem:s18+$0x7030] =	vst v0  }
0x27: {  	[tilespmem:s18+$0x7040] =	vst v0  }
0x28: {  	[tilespmem:s18+$0x7050] =	vst v0  }
0x29: {  	[tilespmem:s18+$0x7060] =	vst v0  }
0x2a: {  	[tilespmem:s18+$0x7070] =	vst v0  }
0x2b: {  	[tilespmem:s18+$0x7400] =	vst v0  }
.Ltmp0:
0x2c: {  	[tilespmem:s18+$0x7410] =	vst v0;
	(pc) =	sbr.rel @p0 .LBB2_2-.Ltmp0, $4  }
0x2d: {  	[tilespmem:s18+$0x7420] =	vst v0  }
0x2e: {  	[tilespmem:s18+$0x7430] =	vst v0  }
0x2f: {  	s19 =	sadd.s32 $0x80, s19;
	[tilespmem:s18+$0x7440] =	vst v0  }
0x30: {  	s21 =	sand.u32 $0x7800, s20;
	s20 =	sadd.s32 $0x100, s20;
	s22 =	sand.u32 $0x380, s19;
	[tilespmem:s18+$0x7450] =	vst v0  }
0x31: {  	s19 =	sor.u32 s22, s21;
	[tilespmem:s18+$0x7460] =	vst v0  }
0x32: {  	[tilespmem:s19+$0x7470] =	vst v0  }
0x33: {  	[tilespmem:s19+$0x7000] =	vst v0  }
0x34: {  	[tilespmem:s19+$0x7010] =	vst v0  }
0x35: {  	[tilespmem:s19+$0x7020] =	vst v0  }
0x36: {  	[tilespmem:s19+$0x7030] =	vst v0  }
0x37: {  	[tilespmem:s19+$0x7040] =	vst v0  }
0x38: {  	[tilespmem:s19+$0x7050] =	vst v0  }
0x39: {  	[tilespmem:s19+$0x7060] =	vst v0  }
0x3a: {  	[tilespmem:s19+$0x7070] =	vst v0  }
0x3b: {  	[tilespmem:s19+$0x7400] =	vst v0  }
0x3c: {  	[tilespmem:s19+$0x7410] =	vst v0  }
0x3d: {  	[tilespmem:s19+$0x7420] =	vst v0  }
0x3e: {  	[tilespmem:s19+$0x7430] =	vst v0  }
0x3f: {  	[tilespmem:s19+$0x7440] =	vst v0  }
0x40: {  	[tilespmem:s19+$0x7450] =	vst v0  }
0x41: {  	[tilespmem:s19+$0x7460] =	vst v0  }
0x42: {  	_ =	swait.ge [sflag:s11], $0x7000  }
0x43: {  	[sflag:s11] =	ssyncset.done $0x0  }
0x44: {  	[sflag:s11] =	ssyncadd.s32 $0xFFFF9000  }
0x45: {  	v18 =	vld [tilespmem:$0x0];
	_ =	sdelay $0x4  }
0x46: {  	v19 =	vshll.u32 v18, $0x8;
	v20 =	vshll.u32 v18, $0x7  }
0x47: {  	v19 =	vand.u32 $0xFFFFF800, v19;
	v20 =	vand.u32 $0x380, v20  }
0x48: {  	v19 =	vor.u32 v19, v20  }
0x49: {  	v19 =	vor.u32 v1, v19;
	_ =	sdelay $0x3  }
0x4a: {  	[tilespmem:$0x14000] =	vst v18  }
0x4b: {  	[tilespmem:v19+s12+$0x0] =	vst.idx.msk $0xffff, v2  }
0x4c: {  	v18 =	vld [tilespmem:$0x10];
	_ =	sdelay $0x4  }
0x4d: {  	v19 =	vshll.u32 v18, $0x8;
	v49 =	vshll.u32 v18, $0x7  }
0x4e: {  	v19 =	vand.u32 $0xFFFFF800, v19;
	v20 =	vand.u32 $0x380, v49  }
0x4f: {  	v19 =	vor.u32 v19, v20  }
0x50: {  	v19 =	vor.u32 v3, v19;
	_ =	sdelay $0x3  }
0x51: {  	[tilespmem:$0x14010] =	vst v18  }
0x52: {  	[tilespmem:v19+s12+$0x0] =	vst.idx.msk $0xffff, v2  }
0x53: {  	v18 =	vld [tilespmem:$0x20];
	_ =	sdelay $0x4  }
0x54: {  	v19 =	vshll.u32 v18, $0x8;
	v50 =	vshll.u32 v18, $0x7  }
0x55: {  	v19 =	vand.u32 $0xFFFFF800, v19;
	v20 =	vand.u32 $0x380, v50  }
0x56: {  	v19 =	vor.u32 v19, v20  }
0x57: {  	v19 =	vor.u32 v4, v19;
	_ =	sdelay $0x3  }
0x58: {  	[tilespmem:$0x14020] =	vst v18  }
0x59: {  	[tilespmem:v19+s12+$0x0] =	vst.idx.msk $0xffff, v2  }
0x5a: {  	v18 =	vld [tilespmem:$0x30];
	_ =	sdelay $0x4  }
0x5b: {  	v19 =	vshll.u32 v18, $0x8;
	v51 =	vshll.u32 v18, $0x7  }
0x5c: {  	v19 =	vand.u32 $0xFFFFF800, v19;
	v20 =	vand.u32 $0x380, v51  }
0x5d: {  	v19 =	vor.u32 v19, v20  }
0x5e: {  	v19 =	vor.u32 v5, v19;
	_ =	sdelay $0x3  }
0x5f: {  	[tilespmem:$0x14030] =	vst v18  }
0x60: {  	[tilespmem:v19+s12+$0x0] =	vst.idx.msk $0xffff, v2  }
0x61: {  	v18 =	vld [tilespmem:$0x40];
	_ =	sdelay $0x4  }
0x62: {  	v19 =	vshll.u32 v18, $0x8;
	v52 =	vshll.u32 v18, $0x7  }
0x63: {  	v19 =	vand.u32 $0xFFFFF800, v19;
	v20 =	vand.u32 $0x380, v52  }
0x64: {  	v19 =	vor.u32 v19, v20  }
0x65: {  	v19 =	vor.u32 v6, v19;
	_ =	sdelay $0x3  }
0x66: {  	[tilespmem:$0x14040] =	vst v18  }
0x67: {  	[tilespmem:v19+s12+$0x0] =	vst.idx.msk $0xffff, v2  }
0x68: {  	v18 =	vld [tilespmem:$0x50];
	_ =	sdelay $0x4  }
0x69: {  	v19 =	vshll.u32 v18, $0x8;
	v53 =	vshll.u32 v18, $0x7  }
0x6a: {  	v19 =	vand.u32 $0xFFFFF800, v19;
	v20 =	vand.u32 $0x380, v53  }
0x6b: {  	v19 =	vor.u32 v19, v20  }
0x6c: {  	v19 =	vor.u32 v7, v19;
	_ =	sdelay $0x3  }
0x6d: {  	[tilespmem:$0x14050] =	vst v18  }
0x6e: {  	[tilespmem:v19+s12+$0x0] =	vst.idx.msk $0xffff, v2  }
0x6f: {  	v18 =	vld [tilespmem:$0x60];
	_ =	sdelay $0x4  }
0x70: {  	v19 =	vshll.u32 v18, $0x8;
	v54 =	vshll.u32 v18, $0x7  }
0x71: {  	v19 =	vand.u32 $0xFFFFF800, v19;
	v20 =	vand.u32 $0x380, v54  }
0x72: {  	v19 =	vor.u32 v19, v20  }
0x73: {  	v19 =	vor.u32 v8, v19;
	_ =	sdelay $0x3  }
0x74: {  	[tilespmem:$0x14060] =	vst v18  }
0x75: {  	[tilespmem:v19+s12+$0x0] =	vst.idx.msk $0xffff, v2  }
0x76: {  	v18 =	vld [tilespmem:$0x70];
	_ =	sdelay $0x4  }
0x77: {  	v19 =	vshll.u32 v18, $0x8;
	v55 =	vshll.u32 v18, $0x7  }
0x78: {  	v19 =	vand.u32 $0xFFFFF800, v19;
	v20 =	vand.u32 $0x380, v55  }
0x79: {  	v19 =	vor.u32 v19, v20  }
0x7a: {  	v19 =	vor.u32 v9, v19;
	_ =	sdelay $0x3  }
0x7b: {  	[tilespmem:$0x14070] =	vst v18  }
0x7c: {  	[tilespmem:v19+s12+$0x0] =	vst.idx.msk $0xffff, v2  }
0x7d: {  	v18 =	vld [tilespmem:$0x400];
	_ =	sdelay $0x4  }
0x7e: {  	v19 =	vshll.u32 v18, $0x8;
	v56 =	vshll.u32 v18, $0x7  }
0x7f: {  	v19 =	vand.u32 $0xFFFFF800, v19;
	v20 =	vand.u32 $0x380, v56  }
0x80: {  	v19 =	vor.u32 v20, v19  }
0x81: {  	v19 =	vor.u32 v10, v19;
	_ =	sdelay $0x3  }
0x82: {  	[tilespmem:$0x14080] =	vst v18  }
0x83: {  	[tilespmem:v19+s12+$0x0] =	vst.idx.msk $0xffff, v2  }
0x84: {  	v18 =	vld [tilespmem:$0x410];
	_ =	sdelay $0x4  }
0x85: {  	v19 =	vshll.u32 v18, $0x8;
	v57 =	vshll.u32 v18, $0x7  }
0x86: {  	v19 =	vand.u32 $0xFFFFF800, v19;
	v20 =	vand.u32 $0x380, v57  }
0x87: {  	v19 =	vor.u32 v20, v19  }
0x88: {  	v19 =	vor.u32 v11, v19;
	_ =	sdelay $0x3  }
0x89: {  	[tilespmem:$0x14090] =	vst v18  }
0x8a: {  	[tilespmem:v19+s12+$0x0] =	vst.idx.msk $0xffff, v2  }
0x8b: {  	v18 =	vld [tilespmem:$0x420];
	_ =	sdelay $0x4  }
0x8c: {  	v19 =	vshll.u32 v18, $0x8;
	v58 =	vshll.u32 v18, $0x7  }
0x8d: {  	v19 =	vand.u32 $0xFFFFF800, v19;
	v20 =	vand.u32 $0x380, v58  }
0x8e: {  	v19 =	vor.u32 v20, v19  }
0x8f: {  	v19 =	vor.u32 v12, v19;
	_ =	sdelay $0x3  }
0x90: {  	[tilespmem:$0x140A0] =	vst v18  }
0x91: {  	[tilespmem:v19+s12+$0x0] =	vst.idx.msk $0xffff, v2  }
0x92: {  	v18 =	vld [tilespmem:$0x430];
	_ =	sdelay $0x4  }
0x93: {  	v19 =	vshll.u32 v18, $0x8;
	v59 =	vshll.u32 v18, $0x7  }
0x94: {  	v19 =	vand.u32 $0xFFFFF800, v19;
	v20 =	vand.u32 $0x380, v59  }
0x95: {  	v19 =	vor.u32 v20, v19  }
0x96: {  	v19 =	vor.u32 v13, v19;
	_ =	sdelay $0x3  }
0x97: {  	[tilespmem:$0x140B0] =	vst v18  }
0x98: {  	[tilespmem:v19+s12+$0x0] =	vst.idx.msk $0xffff, v2  }
0x99: {  	v18 =	vld [tilespmem:$0x440];
	_ =	sdelay $0x4  }
0x9a: {  	v19 =	vshll.u32 v18, $0x8;
	v60 =	vshll.u32 v18, $0x7  }
0x9b: {  	v19 =	vand.u32 $0xFFFFF800, v19;
	v20 =	vand.u32 $0x380, v60  }
0x9c: {  	v19 =	vor.u32 v20, v19  }
0x9d: {  	v19 =	vor.u32 v14, v19;
	_ =	sdelay $0x3  }
0x9e: {  	[tilespmem:$0x140C0] =	vst v18  }
0x9f: {  	[tilespmem:v19+s12+$0x0] =	vst.idx.msk $0xffff, v2  }
0xa0: {  	v18 =	vld [tilespmem:$0x450];
	_ =	sdelay $0x4  }
0xa1: {  	v19 =	vshll.u32 v18, $0x8;
	v61 =	vshll.u32 v18, $0x7  }
0xa2: {  	v19 =	vand.u32 $0xFFFFF800, v19;
	v20 =	vand.u32 $0x380, v61  }
0xa3: {  	v19 =	vor.u32 v20, v19  }
0xa4: {  	v19 =	vor.u32 v15, v19;
	_ =	sdelay $0x3  }
0xa5: {  	[tilespmem:$0x140D0] =	vst v18  }
0xa6: {  	[tilespmem:v19+s12+$0x0] =	vst.idx.msk $0xffff, v2  }
0xa7: {  	v18 =	vld [tilespmem:$0x460];
	_ =	sdelay $0x4  }
0xa8: {  	v19 =	vshll.u32 v18, $0x8;
	v62 =	vshll.u32 v18, $0x7  }
0xa9: {  	v19 =	vand.u32 $0xFFFFF800, v19;
	v20 =	vand.u32 $0x380, v62  }
0xaa: {  	v19 =	vor.u32 v20, v19  }
0xab: {  	v19 =	vor.u32 v16, v19;
	_ =	sdelay $0x3  }
0xac: {  	[tilespmem:$0x140E0] =	vst v18  }
0xad: {  	[tilespmem:v19+s12+$0x0] =	vst.idx.msk $0xffff, v2  }
0xae: {  	v18 =	vld [tilespmem:$0x470];
	_ =	sdelay $0x4  }
0xaf: {  	v19 =	vshll.u32 v18, $0x8;
	v63 =	vshll.u32 v18, $0x7  }
0xb0: {  	v19 =	vand.u32 $0xFFFFF800, v19;
	v20 =	vand.u32 $0x380, v63  }
0xb1: {  	v19 =	vor.u32 v20, v19  }
0xb2: {  	v19 =	vor.u32 v17, v19;
	_ =	sdelay $0x2  }
0xb3: {  	s30 =	simm.s32 $0x0  }
0xb4: {  	s31 =	sand.u32 $0x7800, s30;
	s18 =	sand.u32 $0x380, s30;
	[tilespmem:$0x140F0] =	vst v18  }
0xb5: {  	s18 =	sor.u32 s18, s31;
	[tilespmem:v19+s12+$0x0] =	vst.idx.msk $0xffff, v2  }
0xb6: {  	[hbm4b:s4+s13] =	stream.strided.scatter [tilespmem:s12], [sflag:$0x1], $0x6800, s10, s13, $0x38;
	[tilespmem:$0x14200] =	vst v63  }
0xb7: {  	[tilespmem:s18+$0xDC70] =	vst v0  }
0xb8: {  	[tilespmem:s18+$0xD800] =	vst v0  }
0xb9: {  	[tilespmem:s18+$0xD810] =	vst v0  }
0xba: {  	[tilespmem:s18+$0xD820] =	vst v0  }
0xbb: {  	[tilespmem:s18+$0xD830] =	vst v0  }
0xbc: {  	[tilespmem:s18+$0xD840] =	vst v0  }
0xbd: {  	[tilespmem:s18+$0xD850] =	vst v0  }
0xbe: {  	[tilespmem:s18+$0xD860] =	vst v0  }
0xbf: {  	[tilespmem:s18+$0xD870] =	vst v0  }
0xc0: {  	[tilespmem:s18+$0xDC00] =	vst v0  }
0xc1: {  	[tilespmem:s18+$0xDC10] =	vst v0  }
0xc2: {  	[tilespmem:s18+$0xDC20] =	vst v0  }
0xc3: {  	[tilespmem:s18+$0xDC30] =	vst v0  }
0xc4: {  	s20 =	simm.s32 $0x100;
	s19 =	simm.s32 $0x80;
	[tilespmem:s18+$0xDC40] =	vst v0  }
0xc5: {  	s21 =	sand.u32 $0x7800, s20;
	s20 =	simm.s32 $0x200;
	s22 =	sand.u32 $0x380, s19;
	[tilespmem:s18+$0xDC50] =	vst v0  }
.LBB2_4:
0xc6: {  	p0 =	sne.s32 s20, $0x6400;
	[tilespmem:s18+$0xDC60] =	vst v0;
	s18 =	sor.u32 s22, s21  }
0xc7: {  	[tilespmem:s18+$0xDC70] =	vst v0  }
0xc8: {  	[tilespmem:s18+$0xD800] =	vst v0  }
0xc9: {  	[tilespmem:s18+$0xD810] =	vst v0  }
0xca: {  	[tilespmem:s18+$0xD820] =	vst v0  }
0xcb: {  	[tilespmem:s18+$0xD830] =	vst v0  }
0xcc: {  	[tilespmem:s18+$0xD840] =	vst v0  }
0xcd: {  	[tilespmem:s18+$0xD850] =	vst v0  }
0xce: {  	[tilespmem:s18+$0xD860] =	vst v0  }
0xcf: {  	[tilespmem:s18+$0xD870] =	vst v0  }
0xd0: {  	[tilespmem:s18+$0xDC00] =	vst v0  }
.Ltmp1:
0xd1: {  	[tilespmem:s18+$0xDC10] =	vst v0;
	(pc) =	sbr.rel @p0 .LBB2_4-.Ltmp1, $4  }
0xd2: {  	[tilespmem:s18+$0xDC20] =	vst v0  }
0xd3: {  	[tilespmem:s18+$0xDC30] =	vst v0  }
0xd4: {  	s19 =	sadd.s32 $0x80, s19;
	[tilespmem:s18+$0xDC40] =	vst v0  }
0xd5: {  	s21 =	sand.u32 $0x7800, s20;
	s20 =	sadd.s32 $0x100, s20;
	s22 =	sand.u32 $0x380, s19;
	[tilespmem:s18+$0xDC50] =	vst v0  }
0xd6: {  	s19 =	sor.u32 s22, s21;
	[tilespmem:s18+$0xDC60] =	vst v0  }
0xd7: {  	[tilespmem:s19+$0xDC70] =	vst v0  }
0xd8: {  	[tilespmem:s19+$0xD800] =	vst v0  }
0xd9: {  	[tilespmem:s19+$0xD810] =	vst v0  }
0xda: {  	[tilespmem:s19+$0xD820] =	vst v0  }
0xdb: {  	[tilespmem:s19+$0xD830] =	vst v0  }
0xdc: {  	[tilespmem:s19+$0xD840] =	vst v0  }
0xdd: {  	[tilespmem:s19+$0xD850] =	vst v0  }
0xde: {  	[tilespmem:s19+$0xD860] =	vst v0  }
0xdf: {  	[tilespmem:s19+$0xD870] =	vst v0  }
0xe0: {  	[tilespmem:s19+$0xDC00] =	vst v0  }
0xe1: {  	[tilespmem:s19+$0xDC10] =	vst v0  }
0xe2: {  	[tilespmem:s19+$0xDC20] =	vst v0  }
0xe3: {  	[tilespmem:s19+$0xDC30] =	vst v0  }
0xe4: {  	[tilespmem:s19+$0xDC40] =	vst v0  }
0xe5: {  	[tilespmem:s19+$0xDC50] =	vst v0  }
0xe6: {  	[tilespmem:s19+$0xDC60] =	vst v0  }
0xe7: {  	v18 =	vld [tilespmem:$0x800];
	_ =	sdelay $0x4  }
0xe8: {  	v19 =	vshll.u32 v18, $0x8;
	v20 =	vshll.u32 v18, $0x7  }
0xe9: {  	v19 =	vand.u32 $0xFFFFF800, v19;
	v20 =	vand.u32 $0x380, v20  }
0xea: {  	v19 =	vor.u32 v19, v20  }
0xeb: {  	v19 =	vor.u32 v1, v19;
	_ =	sdelay $0x3  }
0xec: {  	[tilespmem:$0x14100] =	vst v18  }
0xed: {  	[tilespmem:v19+s14+$0x0] =	vst.idx.msk $0xffff, v2  }
0xee: {  	v18 =	vld [tilespmem:$0x810];
	_ =	sdelay $0x4  }
0xef: {  	v19 =	vshll.u32 v18, $0x8;
	v49 =	vshll.u32 v18, $0x7  }
0xf0: {  	v19 =	vand.u32 $0xFFFFF800, v19;
	v20 =	vand.u32 $0x380, v49  }
0xf1: {  	v19 =	vor.u32 v19, v20  }
0xf2: {  	v19 =	vor.u32 v3, v19;
	_ =	sdelay $0x3  }
0xf3: {  	[tilespmem:$0x14110] =	vst v18  }
0xf4: {  	[tilespmem:v19+s14+$0x0] =	vst.idx.msk $0xffff, v2  }
0xf5: {  	v18 =	vld [tilespmem:$0x820];
	_ =	sdelay $0x4  }
0xf6: {  	v19 =	vshll.u32 v18, $0x8;
	v50 =	vshll.u32 v18, $0x7  }
0xf7: {  	v19 =	vand.u32 $0xFFFFF800, v19;
	v20 =	vand.u32 $0x380, v50  }
0xf8: {  	v19 =	vor.u32 v19, v20  }
0xf9: {  	v19 =	vor.u32 v4, v19;
	_ =	sdelay $0x3  }
0xfa: {  	[tilespmem:$0x14120] =	vst v18  }
0xfb: {  	[tilespmem:v19+s14+$0x0] =	vst.idx.msk $0xffff, v2  }
0xfc: {  	v18 =	vld [tilespmem:$0x830];
	_ =	sdelay $0x4  }
0xfd: {  	v19 =	vshll.u32 v18, $0x8;
	v51 =	vshll.u32 v18, $0x7  }
0xfe: {  	v19 =	vand.u32 $0xFFFFF800, v19;
	v20 =	vand.u32 $0x380, v51  }
0xff: {  	v19 =	vor.u32 v19, v20  }
0x100: {  	v19 =	vor.u32 v5, v19;
	_ =	sdelay $0x3  }
0x101: {  	[tilespmem:$0x14130] =	vst v18  }
0x102: {  	[tilespmem:v19+s14+$0x0] =	vst.idx.msk $0xffff, v2  }
0x103: {  	v18 =	vld [tilespmem:$0x840];
	_ =	sdelay $0x4  }
0x104: {  	v19 =	vshll.u32 v18, $0x8;
	v52 =	vshll.u32 v18, $0x7  }
0x105: {  	v19 =	vand.u32 $0xFFFFF800, v19;
	v20 =	vand.u32 $0x380, v52  }
0x106: {  	v19 =	vor.u32 v19, v20  }
0x107: {  	v19 =	vor.u32 v6, v19;
	_ =	sdelay $0x3  }
0x108: {  	[tilespmem:$0x14140] =	vst v18  }
0x109: {  	[tilespmem:v19+s14+$0x0] =	vst.idx.msk $0xffff, v2  }
0x10a: {  	v18 =	vld [tilespmem:$0x850];
	_ =	sdelay $0x4  }
0x10b: {  	v19 =	vshll.u32 v18, $0x8;
	v53 =	vshll.u32 v18, $0x7  }
0x10c: {  	v19 =	vand.u32 $0xFFFFF800, v19;
	v20 =	vand.u32 $0x380, v53  }
0x10d: {  	v19 =	vor.u32 v19, v20  }
0x10e: {  	v19 =	vor.u32 v7, v19;
	_ =	sdelay $0x3  }
0x10f: {  	[tilespmem:$0x14150] =	vst v18  }
0x110: {  	[tilespmem:v19+s14+$0x0] =	vst.idx.msk $0xffff, v2  }
0x111: {  	v18 =	vld [tilespmem:$0x860];
	_ =	sdelay $0x4  }
0x112: {  	v19 =	vshll.u32 v18, $0x8;
	v54 =	vshll.u32 v18, $0x7  }
0x113: {  	v19 =	vand.u32 $0xFFFFF800, v19;
	v20 =	vand.u32 $0x380, v54  }
0x114: {  	v19 =	vor.u32 v19, v20  }
0x115: {  	v19 =	vor.u32 v8, v19;
	_ =	sdelay $0x3  }
0x116: {  	[tilespmem:$0x14160] =	vst v18  }
0x117: {  	[tilespmem:v19+s14+$0x0] =	vst.idx.msk $0xffff, v2  }
0x118: {  	v18 =	vld [tilespmem:$0x870];
	_ =	sdelay $0x4  }
0x119: {  	v19 =	vshll.u32 v18, $0x8;
	v55 =	vshll.u32 v18, $0x7  }
0x11a: {  	v19 =	vand.u32 $0xFFFFF800, v19;
	v20 =	vand.u32 $0x380, v55  }
0x11b: {  	v19 =	vor.u32 v19, v20  }
0x11c: {  	v19 =	vor.u32 v9, v19;
	_ =	sdelay $0x3  }
0x11d: {  	[tilespmem:$0x14170] =	vst v18  }
0x11e: {  	[tilespmem:v19+s14+$0x0] =	vst.idx.msk $0xffff, v2  }
0x11f: {  	v18 =	vld [tilespmem:$0xC00];
	_ =	sdelay $0x4  }
0x120: {  	v19 =	vshll.u32 v18, $0x8;
	v56 =	vshll.u32 v18, $0x7  }
0x121: {  	v19 =	vand.u32 $0xFFFFF800, v19;
	v20 =	vand.u32 $0x380, v56  }
0x122: {  	v19 =	vor.u32 v20, v19  }
0x123: {  	v19 =	vor.u32 v10, v19;
	_ =	sdelay $0x3  }
0x124: {  	[tilespmem:$0x14180] =	vst v18  }
0x125: {  	[tilespmem:v19+s14+$0x0] =	vst.idx.msk $0xffff, v2  }
0x126: {  	v18 =	vld [tilespmem:$0xC10];
	_ =	sdelay $0x4  }
0x127: {  	v19 =	vshll.u32 v18, $0x8;
	v57 =	vshll.u32 v18, $0x7  }
0x128: {  	v19 =	vand.u32 $0xFFFFF800, v19;
	v20 =	vand.u32 $0x380, v57  }
0x129: {  	v19 =	vor.u32 v20, v19  }
0x12a: {  	v19 =	vor.u32 v11, v19;
	_ =	sdelay $0x3  }
0x12b: {  	[tilespmem:$0x14190] =	vst v18  }
0x12c: {  	[tilespmem:v19+s14+$0x0] =	vst.idx.msk $0xffff, v2  }
0x12d: {  	v18 =	vld [tilespmem:$0xC20];
	_ =	sdelay $0x4  }
0x12e: {  	v19 =	vshll.u32 v18, $0x8;
	v58 =	vshll.u32 v18, $0x7  }
0x12f: {  	v19 =	vand.u32 $0xFFFFF800, v19;
	v20 =	vand.u32 $0x380, v58  }
0x130: {  	v19 =	vor.u32 v20, v19  }
0x131: {  	v19 =	vor.u32 v12, v19;
	_ =	sdelay $0x3  }
0x132: {  	[tilespmem:$0x141A0] =	vst v18  }
0x133: {  	[tilespmem:v19+s14+$0x0] =	vst.idx.msk $0xffff, v2  }
0x134: {  	v18 =	vld [tilespmem:$0xC30];
	_ =	sdelay $0x4  }
0x135: {  	v19 =	vshll.u32 v18, $0x8;
	v59 =	vshll.u32 v18, $0x7  }
0x136: {  	v19 =	vand.u32 $0xFFFFF800, v19;
	v20 =	vand.u32 $0x380, v59  }
0x137: {  	v19 =	vor.u32 v20, v19  }
0x138: {  	v19 =	vor.u32 v13, v19;
	_ =	sdelay $0x3  }
0x139: {  	[tilespmem:$0x141B0] =	vst v18  }
0x13a: {  	[tilespmem:v19+s14+$0x0] =	vst.idx.msk $0xffff, v2  }
0x13b: {  	v18 =	vld [tilespmem:$0xC40];
	_ =	sdelay $0x4  }
0x13c: {  	v19 =	vshll.u32 v18, $0x8;
	v60 =	vshll.u32 v18, $0x7  }
0x13d: {  	v19 =	vand.u32 $0xFFFFF800, v19;
	v20 =	vand.u32 $0x380, v60  }
0x13e: {  	v19 =	vor.u32 v20, v19  }
0x13f: {  	v19 =	vor.u32 v14, v19;
	_ =	sdelay $0x3  }
0x140: {  	[tilespmem:$0x141C0] =	vst v18  }
0x141: {  	[tilespmem:v19+s14+$0x0] =	vst.idx.msk $0xffff, v2  }
0x142: {  	v18 =	vld [tilespmem:$0xC50];
	_ =	sdelay $0x4  }
0x143: {  	v19 =	vshll.u32 v18, $0x8;
	v61 =	vshll.u32 v18, $0x7  }
0x144: {  	v19 =	vand.u32 $0xFFFFF800, v19;
	v20 =	vand.u32 $0x380, v61  }
0x145: {  	v19 =	vor.u32 v20, v19  }
0x146: {  	v19 =	vor.u32 v15, v19;
	_ =	sdelay $0x3  }
0x147: {  	[tilespmem:$0x141D0] =	vst v18  }
0x148: {  	[tilespmem:v19+s14+$0x0] =	vst.idx.msk $0xffff, v2  }
0x149: {  	v18 =	vld [tilespmem:$0xC60];
	_ =	sdelay $0x4  }
0x14a: {  	v19 =	vshll.u32 v18, $0x8;
	v62 =	vshll.u32 v18, $0x7  }
0x14b: {  	v19 =	vand.u32 $0xFFFFF800, v19;
	v20 =	vand.u32 $0x380, v62  }
0x14c: {  	v19 =	vor.u32 v20, v19  }
0x14d: {  	v19 =	vor.u32 v16, v19;
	_ =	sdelay $0x3  }
0x14e: {  	[tilespmem:$0x141E0] =	vst v18  }
0x14f: {  	[tilespmem:v19+s14+$0x0] =	vst.idx.msk $0xffff, v2  }
0x150: {  	v18 =	vld [tilespmem:$0xC70];
	_ =	sdelay $0x4  }
0x151: {  	v19 =	vshll.u32 v18, $0x8;
	v63 =	vshll.u32 v18, $0x7  }
0x152: {  	v19 =	vand.u32 $0xFFFFF800, v19;
	v20 =	vand.u32 $0x380, v63  }
0x153: {  	v19 =	vor.u32 v20, v19  }
0x154: {  	v19 =	vor.u32 v17, v19;
	_ =	sdelay $0x3  }
0x155: {  	s18 =	simm.s32 $0x200;
	[tilespmem:$0x141F0] =	vst v18  }
0x156: {  	s20 =	smov.u32 s8;
	s21 =	smov.u32 s7;
	s19 =	simm.s32 $0x80;
	[tilespmem:v19+s14+$0x0] =	vst.idx.msk $0xffff, v2  }
0x157: {  	[hbm4b:s5+s13] =	stream.strided.scatter [tilespmem:s14], [sflag:$0x2], $0x6800, s10, s13, $0x38;
	[tilespmem:$0x14200] =	vst v63  }
.LBB2_6:
0x158: {  	_ =	swait.ge [sflag:s15], $0x6800  }
0x159: {  	[sflag:s15] =	ssyncset.done $0x0  }
0x15a: {  	[sflag:s15] =	ssyncadd.s32 $0xFFFF9800  }
0x15b: {  	v18 =	vld [tilespmem:$0x14000];
	_ =	sdelay $0x4  }
0x15c: {  	v19 =	vshll.u32 v18, $0x8;
	v18 =	vshll.u32 v18, $0x7  }
0x15d: {  	v19 =	vand.u32 $0xFFFFF800, v19;
	v18 =	vand.u32 $0x380, v18  }
0x15e: {  	v18 =	vor.u32 v19, v18  }
0x15f: {  	v18 =	vor.u32 v1, v18;
	_ =	sdelay $0x4  }
0x160: {  	[tilespmem:v18+s12+$0x0] =	vst.idx.msk $0xffff, v0  }
0x161: {  	v18 =	vld [tilespmem:$0x14010];
	_ =	sdelay $0x4  }
0x162: {  	v19 =	vshll.u32 v18, $0x8;
	v18 =	vshll.u32 v18, $0x7  }
0x163: {  	v19 =	vand.u32 $0xFFFFF800, v19;
	v18 =	vand.u32 $0x380, v18  }
0x164: {  	v18 =	vor.u32 v19, v18  }
0x165: {  	v18 =	vor.u32 v3, v18;
	_ =	sdelay $0x4  }
0x166: {  	[tilespmem:v18+s12+$0x0] =	vst.idx.msk $0xffff, v0  }
0x167: {  	v18 =	vld [tilespmem:$0x14020];
	_ =	sdelay $0x4  }
0x168: {  	v19 =	vshll.u32 v18, $0x8;
	v18 =	vshll.u32 v18, $0x7  }
0x169: {  	v19 =	vand.u32 $0xFFFFF800, v19;
	v18 =	vand.u32 $0x380, v18  }
0x16a: {  	v18 =	vor.u32 v19, v18  }
0x16b: {  	v18 =	vor.u32 v4, v18;
	_ =	sdelay $0x4  }
0x16c: {  	[tilespmem:v18+s12+$0x0] =	vst.idx.msk $0xffff, v0  }
0x16d: {  	v18 =	vld [tilespmem:$0x14030];
	_ =	sdelay $0x4  }
0x16e: {  	v19 =	vshll.u32 v18, $0x8;
	v18 =	vshll.u32 v18, $0x7  }
0x16f: {  	v19 =	vand.u32 $0xFFFFF800, v19;
	v18 =	vand.u32 $0x380, v18  }
0x170: {  	v18 =	vor.u32 v19, v18  }
0x171: {  	v18 =	vor.u32 v5, v18;
	_ =	sdelay $0x4  }
0x172: {  	[tilespmem:v18+s12+$0x0] =	vst.idx.msk $0xffff, v0  }
0x173: {  	v18 =	vld [tilespmem:$0x14040];
	_ =	sdelay $0x4  }
0x174: {  	v19 =	vshll.u32 v18, $0x8;
	v18 =	vshll.u32 v18, $0x7  }
0x175: {  	v19 =	vand.u32 $0xFFFFF800, v19;
	v18 =	vand.u32 $0x380, v18  }
0x176: {  	v18 =	vor.u32 v19, v18  }
0x177: {  	v18 =	vor.u32 v6, v18;
	_ =	sdelay $0x4  }
0x178: {  	[tilespmem:v18+s12+$0x0] =	vst.idx.msk $0xffff, v0  }
0x179: {  	v18 =	vld [tilespmem:$0x14050];
	_ =	sdelay $0x4  }
0x17a: {  	v19 =	vshll.u32 v18, $0x8;
	v18 =	vshll.u32 v18, $0x7  }
0x17b: {  	v19 =	vand.u32 $0xFFFFF800, v19;
	v18 =	vand.u32 $0x380, v18  }
0x17c: {  	v18 =	vor.u32 v19, v18  }
0x17d: {  	v18 =	vor.u32 v7, v18;
	_ =	sdelay $0x4  }
0x17e: {  	[tilespmem:v18+s12+$0x0] =	vst.idx.msk $0xffff, v0  }
0x17f: {  	v18 =	vld [tilespmem:$0x14060];
	_ =	sdelay $0x4  }
0x180: {  	v19 =	vshll.u32 v18, $0x8;
	v18 =	vshll.u32 v18, $0x7  }
0x181: {  	v19 =	vand.u32 $0xFFFFF800, v19;
	v18 =	vand.u32 $0x380, v18  }
0x182: {  	v18 =	vor.u32 v19, v18  }
0x183: {  	v18 =	vor.u32 v8, v18;
	_ =	sdelay $0x4  }
0x184: {  	[tilespmem:v18+s12+$0x0] =	vst.idx.msk $0xffff, v0  }
0x185: {  	v18 =	vld [tilespmem:$0x14070];
	_ =	sdelay $0x4  }
0x186: {  	v19 =	vshll.u32 v18, $0x8;
	v18 =	vshll.u32 v18, $0x7  }
0x187: {  	v19 =	vand.u32 $0xFFFFF800, v19;
	v18 =	vand.u32 $0x380, v18  }
0x188: {  	v18 =	vor.u32 v19, v18  }
0x189: {  	v18 =	vor.u32 v9, v18;
	_ =	sdelay $0x4  }
0x18a: {  	[tilespmem:v18+s12+$0x0] =	vst.idx.msk $0xffff, v0  }
0x18b: {  	v18 =	vld [tilespmem:$0x14080];
	_ =	sdelay $0x4  }
0x18c: {  	v19 =	vshll.u32 v18, $0x8;
	v18 =	vshll.u32 v18, $0x7  }
0x18d: {  	v19 =	vand.u32 $0xFFFFF800, v19;
	v18 =	vand.u32 $0x380, v18  }
0x18e: {  	v18 =	vor.u32 v18, v19  }
0x18f: {  	v18 =	vor.u32 v10, v18;
	_ =	sdelay $0x4  }
0x190: {  	[tilespmem:v18+s12+$0x0] =	vst.idx.msk $0xffff, v0  }
0x191: {  	v18 =	vld [tilespmem:$0x14090];
	_ =	sdelay $0x4  }
0x192: {  	v19 =	vshll.u32 v18, $0x8;
	v18 =	vshll.u32 v18, $0x7  }
0x193: {  	v19 =	vand.u32 $0xFFFFF800, v19;
	v18 =	vand.u32 $0x380, v18  }
0x194: {  	v18 =	vor.u32 v18, v19  }
0x195: {  	v18 =	vor.u32 v11, v18;
	_ =	sdelay $0x4  }
0x196: {  	[tilespmem:v18+s12+$0x0] =	vst.idx.msk $0xffff, v0  }
0x197: {  	v18 =	vld [tilespmem:$0x140A0];
	_ =	sdelay $0x4  }
0x198: {  	v19 =	vshll.u32 v18, $0x8;
	v18 =	vshll.u32 v18, $0x7  }
0x199: {  	v19 =	vand.u32 $0xFFFFF800, v19;
	v18 =	vand.u32 $0x380, v18  }
0x19a: {  	v18 =	vor.u32 v18, v19  }
0x19b: {  	v18 =	vor.u32 v12, v18;
	_ =	sdelay $0x4  }
0x19c: {  	[tilespmem:v18+s12+$0x0] =	vst.idx.msk $0xffff, v0  }
0x19d: {  	v18 =	vld [tilespmem:$0x140B0];
	_ =	sdelay $0x4  }
0x19e: {  	v19 =	vshll.u32 v18, $0x8;
	v18 =	vshll.u32 v18, $0x7  }
0x19f: {  	v19 =	vand.u32 $0xFFFFF800, v19;
	v18 =	vand.u32 $0x380, v18  }
0x1a0: {  	v18 =	vor.u32 v18, v19  }
0x1a1: {  	v18 =	vor.u32 v13, v18;
	_ =	sdelay $0x4  }
0x1a2: {  	[tilespmem:v18+s12+$0x0] =	vst.idx.msk $0xffff, v0  }
0x1a3: {  	v18 =	vld [tilespmem:$0x140C0];
	_ =	sdelay $0x4  }
0x1a4: {  	v19 =	vshll.u32 v18, $0x8;
	v18 =	vshll.u32 v18, $0x7  }
0x1a5: {  	v19 =	vand.u32 $0xFFFFF800, v19;
	v18 =	vand.u32 $0x380, v18  }
0x1a6: {  	v18 =	vor.u32 v18, v19  }
0x1a7: {  	v18 =	vor.u32 v14, v18;
	_ =	sdelay $0x4  }
0x1a8: {  	[tilespmem:v18+s12+$0x0] =	vst.idx.msk $0xffff, v0  }
0x1a9: {  	v18 =	vld [tilespmem:$0x140D0];
	_ =	sdelay $0x4  }
0x1aa: {  	v19 =	vshll.u32 v18, $0x8;
	v18 =	vshll.u32 v18, $0x7  }
0x1ab: {  	v19 =	vand.u32 $0xFFFFF800, v19;
	v18 =	vand.u32 $0x380, v18  }
0x1ac: {  	v18 =	vor.u32 v18, v19  }
0x1ad: {  	v18 =	vor.u32 v15, v18;
	_ =	sdelay $0x4  }
0x1ae: {  	[tilespmem:v18+s12+$0x0] =	vst.idx.msk $0xffff, v0  }
0x1af: {  	v18 =	vld [tilespmem:$0x140E0];
	_ =	sdelay $0x4  }
0x1b0: {  	v19 =	vshll.u32 v18, $0x8;
	v18 =	vshll.u32 v18, $0x7  }
0x1b1: {  	v19 =	vand.u32 $0xFFFFF800, v19;
	v18 =	vand.u32 $0x380, v18  }
0x1b2: {  	v18 =	vor.u32 v18, v19  }
0x1b3: {  	v18 =	vor.u32 v16, v18;
	_ =	sdelay $0x4  }
0x1b4: {  	[tilespmem:v18+s12+$0x0] =	vst.idx.msk $0xffff, v0  }
0x1b5: {  	v18 =	vld [tilespmem:$0x140F0];
	_ =	sdelay $0x4  }
0x1b6: {  	v19 =	vshll.u32 v18, $0x8;
	v18 =	vshll.u32 v18, $0x7  }
0x1b7: {  	v19 =	vand.u32 $0xFFFFF800, v19;
	v18 =	vand.u32 $0x380, v18  }
0x1b8: {  	v18 =	vor.u32 v18, v19  }
0x1b9: {  	v18 =	vor.u32 v17, v18;
	_ =	sdelay $0x3  }
0x1ba: {  	s22 =	sand.u32 $0x7000, s18;
	s23 =	sand.u32 $0x380, s19  }
0x1bb: {  	s22 =	sor.u32 s23, s22;
	[tilespmem:v18+s12+$0x0] =	vst.idx.msk $0xffff, v0  }
0x1bc: {  	v18 =	vld [tilespmem:s22+$0x0];
	_ =	sdelay $0x4  }
0x1bd: {  	v19 =	vshll.u32 v18, $0x8;
	v20 =	vshll.u32 v18, $0x7  }
0x1be: {  	v19 =	vand.u32 $0xFFFFF800, v19;
	v20 =	vand.u32 $0x380, v20  }
0x1bf: {  	v19 =	vor.u32 v19, v20  }
0x1c0: {  	v19 =	vor.u32 v1, v19;
	_ =	sdelay $0x3  }
0x1c1: {  	[tilespmem:$0x14000] =	vst v18  }
0x1c2: {  	[tilespmem:v19+s12+$0x0] =	vst.idx.msk $0xffff, v2  }
0x1c3: {  	v18 =	vld [tilespmem:s22+$0x10];
	_ =	sdelay $0x4  }
0x1c4: {  	v19 =	vshll.u32 v18, $0x8;
	v33 =	vshll.u32 v18, $0x7  }
0x1c5: {  	v19 =	vand.u32 $0xFFFFF800, v19;
	v20 =	vand.u32 $0x380, v33  }
0x1c6: {  	v19 =	vor.u32 v19, v20  }
0x1c7: {  	v19 =	vor.u32 v3, v19;
	_ =	sdelay $0x3  }
0x1c8: {  	[tilespmem:$0x14010] =	vst v18  }
0x1c9: {  	[tilespmem:v19+s12+$0x0] =	vst.idx.msk $0xffff, v2  }
0x1ca: {  	v18 =	vld [tilespmem:s22+$0x20];
	_ =	sdelay $0x4  }
0x1cb: {  	v19 =	vshll.u32 v18, $0x8;
	v34 =	vshll.u32 v18, $0x7  }
0x1cc: {  	v19 =	vand.u32 $0xFFFFF800, v19;
	v20 =	vand.u32 $0x380, v34  }
0x1cd: {  	v19 =	vor.u32 v19, v20  }
0x1ce: {  	v19 =	vor.u32 v4, v19;
	_ =	sdelay $0x3  }
0x1cf: {  	[tilespmem:$0x14020] =	vst v18  }
0x1d0: {  	[tilespmem:v19+s12+$0x0] =	vst.idx.msk $0xffff, v2  }
0x1d1: {  	v18 =	vld [tilespmem:s22+$0x30];
	_ =	sdelay $0x4  }
0x1d2: {  	v19 =	vshll.u32 v18, $0x8;
	v35 =	vshll.u32 v18, $0x7  }
0x1d3: {  	v19 =	vand.u32 $0xFFFFF800, v19;
	v20 =	vand.u32 $0x380, v35  }
0x1d4: {  	v19 =	vor.u32 v19, v20  }
0x1d5: {  	v19 =	vor.u32 v5, v19;
	_ =	sdelay $0x3  }
0x1d6: {  	[tilespmem:$0x14030] =	vst v18  }
0x1d7: {  	[tilespmem:v19+s12+$0x0] =	vst.idx.msk $0xffff, v2  }
0x1d8: {  	v18 =	vld [tilespmem:s22+$0x40];
	_ =	sdelay $0x4  }
0x1d9: {  	v19 =	vshll.u32 v18, $0x8;
	v36 =	vshll.u32 v18, $0x7  }
0x1da: {  	v19 =	vand.u32 $0xFFFFF800, v19;
	v20 =	vand.u32 $0x380, v36  }
0x1db: {  	v19 =	vor.u32 v19, v20  }
0x1dc: {  	v19 =	vor.u32 v6, v19;
	_ =	sdelay $0x3  }
0x1dd: {  	[tilespmem:$0x14040] =	vst v18  }
0x1de: {  	[tilespmem:v19+s12+$0x0] =	vst.idx.msk $0xffff, v2  }
0x1df: {  	v18 =	vld [tilespmem:s22+$0x50];
	_ =	sdelay $0x4  }
0x1e0: {  	v19 =	vshll.u32 v18, $0x8;
	v37 =	vshll.u32 v18, $0x7  }
0x1e1: {  	v19 =	vand.u32 $0xFFFFF800, v19;
	v20 =	vand.u32 $0x380, v37  }
0x1e2: {  	v19 =	vor.u32 v19, v20  }
0x1e3: {  	v19 =	vor.u32 v7, v19;
	_ =	sdelay $0x3  }
0x1e4: {  	[tilespmem:$0x14050] =	vst v18  }
0x1e5: {  	[tilespmem:v19+s12+$0x0] =	vst.idx.msk $0xffff, v2  }
0x1e6: {  	v18 =	vld [tilespmem:s22+$0x60];
	_ =	sdelay $0x4  }
0x1e7: {  	v19 =	vshll.u32 v18, $0x8;
	v38 =	vshll.u32 v18, $0x7  }
0x1e8: {  	v19 =	vand.u32 $0xFFFFF800, v19;
	v20 =	vand.u32 $0x380, v38  }
0x1e9: {  	v19 =	vor.u32 v19, v20  }
0x1ea: {  	v19 =	vor.u32 v8, v19;
	_ =	sdelay $0x3  }
0x1eb: {  	[tilespmem:$0x14060] =	vst v18  }
0x1ec: {  	[tilespmem:v19+s12+$0x0] =	vst.idx.msk $0xffff, v2  }
0x1ed: {  	v18 =	vld [tilespmem:s22+$0x70];
	_ =	sdelay $0x4  }
0x1ee: {  	v19 =	vshll.u32 v18, $0x8;
	v39 =	vshll.u32 v18, $0x7  }
0x1ef: {  	v19 =	vand.u32 $0xFFFFF800, v19;
	v20 =	vand.u32 $0x380, v39  }
0x1f0: {  	v19 =	vor.u32 v19, v20  }
0x1f1: {  	v19 =	vor.u32 v9, v19;
	_ =	sdelay $0x3  }
0x1f2: {  	[tilespmem:$0x14070] =	vst v18  }
0x1f3: {  	[tilespmem:v19+s12+$0x0] =	vst.idx.msk $0xffff, v2  }
0x1f4: {  	v18 =	vld [tilespmem:s22+$0x400];
	_ =	sdelay $0x4  }
0x1f5: {  	v19 =	vshll.u32 v18, $0x8;
	v40 =	vshll.u32 v18, $0x7  }
0x1f6: {  	v19 =	vand.u32 $0xFFFFF800, v19;
	v20 =	vand.u32 $0x380, v40  }
0x1f7: {  	v19 =	vor.u32 v20, v19  }
0x1f8: {  	v19 =	vor.u32 v10, v19;
	_ =	sdelay $0x3  }
0x1f9: {  	[tilespmem:$0x14080] =	vst v18  }
0x1fa: {  	[tilespmem:v19+s12+$0x0] =	vst.idx.msk $0xffff, v2  }
0x1fb: {  	v18 =	vld [tilespmem:s22+$0x410];
	_ =	sdelay $0x4  }
0x1fc: {  	v19 =	vshll.u32 v18, $0x8;
	v41 =	vshll.u32 v18, $0x7  }
0x1fd: {  	v19 =	vand.u32 $0xFFFFF800, v19;
	v20 =	vand.u32 $0x380, v41  }
0x1fe: {  	v19 =	vor.u32 v20, v19  }
0x1ff: {  	v19 =	vor.u32 v11, v19;
	_ =	sdelay $0x3  }
0x200: {  	[tilespmem:$0x14090] =	vst v18  }
0x201: {  	[tilespmem:v19+s12+$0x0] =	vst.idx.msk $0xffff, v2  }
0x202: {  	v18 =	vld [tilespmem:s22+$0x420];
	_ =	sdelay $0x4  }
0x203: {  	v19 =	vshll.u32 v18, $0x8;
	v42 =	vshll.u32 v18, $0x7  }
0x204: {  	v19 =	vand.u32 $0xFFFFF800, v19;
	v20 =	vand.u32 $0x380, v42  }
0x205: {  	v19 =	vor.u32 v20, v19  }
0x206: {  	v19 =	vor.u32 v12, v19;
	_ =	sdelay $0x3  }
0x207: {  	[tilespmem:$0x140A0] =	vst v18  }
0x208: {  	[tilespmem:v19+s12+$0x0] =	vst.idx.msk $0xffff, v2  }
0x209: {  	v18 =	vld [tilespmem:s22+$0x430];
	_ =	sdelay $0x4  }
0x20a: {  	v19 =	vshll.u32 v18, $0x8;
	v43 =	vshll.u32 v18, $0x7  }
0x20b: {  	v19 =	vand.u32 $0xFFFFF800, v19;
	v20 =	vand.u32 $0x380, v43  }
0x20c: {  	v19 =	vor.u32 v20, v19  }
0x20d: {  	v19 =	vor.u32 v13, v19;
	_ =	sdelay $0x3  }
0x20e: {  	[tilespmem:$0x140B0] =	vst v18  }
0x20f: {  	[tilespmem:v19+s12+$0x0] =	vst.idx.msk $0xffff, v2  }
0x210: {  	v18 =	vld [tilespmem:s22+$0x440];
	_ =	sdelay $0x4  }
0x211: {  	v19 =	vshll.u32 v18, $0x8;
	v44 =	vshll.u32 v18, $0x7  }
0x212: {  	v19 =	vand.u32 $0xFFFFF800, v19;
	v20 =	vand.u32 $0x380, v44  }
0x213: {  	v19 =	vor.u32 v20, v19  }
0x214: {  	v19 =	vor.u32 v14, v19;
	_ =	sdelay $0x3  }
0x215: {  	[tilespmem:$0x140C0] =	vst v18  }
0x216: {  	[tilespmem:v19+s12+$0x0] =	vst.idx.msk $0xffff, v2  }
0x217: {  	v18 =	vld [tilespmem:s22+$0x450];
	_ =	sdelay $0x4  }
0x218: {  	v19 =	vshll.u32 v18, $0x8;
	v45 =	vshll.u32 v18, $0x7  }
0x219: {  	v19 =	vand.u32 $0xFFFFF800, v19;
	v20 =	vand.u32 $0x380, v45  }
0x21a: {  	v19 =	vor.u32 v20, v19  }
0x21b: {  	v19 =	vor.u32 v15, v19;
	_ =	sdelay $0x3  }
0x21c: {  	[tilespmem:$0x140D0] =	vst v18  }
0x21d: {  	[tilespmem:v19+s12+$0x0] =	vst.idx.msk $0xffff, v2  }
0x21e: {  	v18 =	vld [tilespmem:s22+$0x460];
	_ =	sdelay $0x4  }
0x21f: {  	v19 =	vshll.u32 v18, $0x8;
	v46 =	vshll.u32 v18, $0x7  }
0x220: {  	v19 =	vand.u32 $0xFFFFF800, v19;
	v20 =	vand.u32 $0x380, v46  }
0x221: {  	v19 =	vor.u32 v20, v19  }
0x222: {  	v19 =	vor.u32 v16, v19;
	_ =	sdelay $0x3  }
0x223: {  	[tilespmem:$0x140E0] =	vst v18  }
0x224: {  	[tilespmem:v19+s12+$0x0] =	vst.idx.msk $0xffff, v2  }
0x225: {  	v18 =	vld [tilespmem:s22+$0x470];
	_ =	sdelay $0x4  }
0x226: {  	v19 =	vshll.u32 v18, $0x8;
	v47 =	vshll.u32 v18, $0x7  }
0x227: {  	v19 =	vand.u32 $0xFFFFF800, v19;
	v20 =	vand.u32 $0x380, v47  }
0x228: {  	v19 =	vor.u32 v20, v19  }
0x229: {  	v19 =	vor.u32 v17, v19;
	_ =	sdelay $0x3  }
0x22a: {  	[tilespmem:$0x140F0] =	vst v18  }
0x22b: {  	[tilespmem:v19+s12+$0x0] =	vst.idx.msk $0xffff, v2  }
0x22c: {  	[hbm4b:s20+s13] =	stream.strided.scatter [tilespmem:s12], [sflag:$0x1], $0x6800, s10, s13, $0x38;
	[tilespmem:$0x14200] =	vst v63  }
0x22d: {  	_ =	swait.ge [sflag:s16], $0x6800  }
0x22e: {  	[sflag:s16] =	ssyncset.done $0x0  }
0x22f: {  	[sflag:s16] =	ssyncadd.s32 $0xFFFF9800  }
0x230: {  	v18 =	vld [tilespmem:$0x14100];
	_ =	sdelay $0x4  }
0x231: {  	v19 =	vshll.u32 v18, $0x8;
	v18 =	vshll.u32 v18, $0x7  }
0x232: {  	v19 =	vand.u32 $0xFFFFF800, v19;
	v18 =	vand.u32 $0x380, v18  }
0x233: {  	v18 =	vor.u32 v19, v18  }
0x234: {  	v18 =	vor.u32 v1, v18;
	_ =	sdelay $0x4  }
0x235: {  	[tilespmem:v18+s14+$0x0] =	vst.idx.msk $0xffff, v0  }
0x236: {  	v18 =	vld [tilespmem:$0x14110];
	_ =	sdelay $0x4  }
0x237: {  	v19 =	vshll.u32 v18, $0x8;
	v18 =	vshll.u32 v18, $0x7  }
0x238: {  	v19 =	vand.u32 $0xFFFFF800, v19;
	v18 =	vand.u32 $0x380, v18  }
0x239: {  	v18 =	vor.u32 v19, v18  }
0x23a: {  	v18 =	vor.u32 v3, v18;
	_ =	sdelay $0x4  }
0x23b: {  	[tilespmem:v18+s14+$0x0] =	vst.idx.msk $0xffff, v0  }
0x23c: {  	v18 =	vld [tilespmem:$0x14120];
	_ =	sdelay $0x4  }
0x23d: {  	v19 =	vshll.u32 v18, $0x8;
	v18 =	vshll.u32 v18, $0x7  }
0x23e: {  	v19 =	vand.u32 $0xFFFFF800, v19;
	v18 =	vand.u32 $0x380, v18  }
0x23f: {  	v18 =	vor.u32 v19, v18  }
0x240: {  	v18 =	vor.u32 v4, v18;
	_ =	sdelay $0x4  }
0x241: {  	[tilespmem:v18+s14+$0x0] =	vst.idx.msk $0xffff, v0  }
0x242: {  	v18 =	vld [tilespmem:$0x14130];
	_ =	sdelay $0x4  }
0x243: {  	v19 =	vshll.u32 v18, $0x8;
	v18 =	vshll.u32 v18, $0x7  }
0x244: {  	v19 =	vand.u32 $0xFFFFF800, v19;
	v18 =	vand.u32 $0x380, v18  }
0x245: {  	v18 =	vor.u32 v19, v18  }
0x246: {  	v18 =	vor.u32 v5, v18;
	_ =	sdelay $0x4  }
0x247: {  	[tilespmem:v18+s14+$0x0] =	vst.idx.msk $0xffff, v0  }
0x248: {  	v18 =	vld [tilespmem:$0x14140];
	_ =	sdelay $0x4  }
0x249: {  	v19 =	vshll.u32 v18, $0x8;
	v18 =	vshll.u32 v18, $0x7  }
0x24a: {  	v19 =	vand.u32 $0xFFFFF800, v19;
	v18 =	vand.u32 $0x380, v18  }
0x24b: {  	v18 =	vor.u32 v19, v18  }
0x24c: {  	v18 =	vor.u32 v6, v18;
	_ =	sdelay $0x4  }
0x24d: {  	[tilespmem:v18+s14+$0x0] =	vst.idx.msk $0xffff, v0  }
0x24e: {  	v18 =	vld [tilespmem:$0x14150];
	_ =	sdelay $0x4  }
0x24f: {  	v19 =	vshll.u32 v18, $0x8;
	v18 =	vshll.u32 v18, $0x7  }
0x250: {  	v19 =	vand.u32 $0xFFFFF800, v19;
	v18 =	vand.u32 $0x380, v18  }
0x251: {  	v18 =	vor.u32 v19, v18  }
0x252: {  	v18 =	vor.u32 v7, v18;
	_ =	sdelay $0x4  }
0x253: {  	[tilespmem:v18+s14+$0x0] =	vst.idx.msk $0xffff, v0  }
0x254: {  	v18 =	vld [tilespmem:$0x14160];
	_ =	sdelay $0x4  }
0x255: {  	v19 =	vshll.u32 v18, $0x8;
	v18 =	vshll.u32 v18, $0x7  }
0x256: {  	v19 =	vand.u32 $0xFFFFF800, v19;
	v18 =	vand.u32 $0x380, v18  }
0x257: {  	v18 =	vor.u32 v19, v18  }
0x258: {  	v18 =	vor.u32 v8, v18;
	_ =	sdelay $0x4  }
0x259: {  	[tilespmem:v18+s14+$0x0] =	vst.idx.msk $0xffff, v0  }
0x25a: {  	v18 =	vld [tilespmem:$0x14170];
	_ =	sdelay $0x4  }
0x25b: {  	v19 =	vshll.u32 v18, $0x8;
	v18 =	vshll.u32 v18, $0x7  }
0x25c: {  	v19 =	vand.u32 $0xFFFFF800, v19;
	v18 =	vand.u32 $0x380, v18  }
0x25d: {  	v18 =	vor.u32 v19, v18  }
0x25e: {  	v18 =	vor.u32 v9, v18;
	_ =	sdelay $0x4  }
0x25f: {  	[tilespmem:v18+s14+$0x0] =	vst.idx.msk $0xffff, v0  }
0x260: {  	v18 =	vld [tilespmem:$0x14180];
	_ =	sdelay $0x4  }
0x261: {  	v19 =	vshll.u32 v18, $0x8;
	v18 =	vshll.u32 v18, $0x7  }
0x262: {  	v19 =	vand.u32 $0xFFFFF800, v19;
	v18 =	vand.u32 $0x380, v18  }
0x263: {  	v18 =	vor.u32 v18, v19  }
0x264: {  	v18 =	vor.u32 v10, v18;
	_ =	sdelay $0x4  }
0x265: {  	[tilespmem:v18+s14+$0x0] =	vst.idx.msk $0xffff, v0  }
0x266: {  	v18 =	vld [tilespmem:$0x14190];
	_ =	sdelay $0x4  }
0x267: {  	v19 =	vshll.u32 v18, $0x8;
	v18 =	vshll.u32 v18, $0x7  }
0x268: {  	v19 =	vand.u32 $0xFFFFF800, v19;
	v18 =	vand.u32 $0x380, v18  }
0x269: {  	v18 =	vor.u32 v18, v19  }
0x26a: {  	v18 =	vor.u32 v11, v18;
	_ =	sdelay $0x4  }
0x26b: {  	[tilespmem:v18+s14+$0x0] =	vst.idx.msk $0xffff, v0  }
0x26c: {  	v18 =	vld [tilespmem:$0x141A0];
	_ =	sdelay $0x4  }
0x26d: {  	v19 =	vshll.u32 v18, $0x8;
	v18 =	vshll.u32 v18, $0x7  }
0x26e: {  	v19 =	vand.u32 $0xFFFFF800, v19;
	v18 =	vand.u32 $0x380, v18  }
0x26f: {  	v18 =	vor.u32 v18, v19  }
0x270: {  	v18 =	vor.u32 v12, v18;
	_ =	sdelay $0x4  }
0x271: {  	[tilespmem:v18+s14+$0x0] =	vst.idx.msk $0xffff, v0  }
0x272: {  	v18 =	vld [tilespmem:$0x141B0];
	_ =	sdelay $0x4  }
0x273: {  	v19 =	vshll.u32 v18, $0x8;
	v18 =	vshll.u32 v18, $0x7  }
0x274: {  	v19 =	vand.u32 $0xFFFFF800, v19;
	v18 =	vand.u32 $0x380, v18  }
0x275: {  	v18 =	vor.u32 v18, v19  }
0x276: {  	v18 =	vor.u32 v13, v18;
	_ =	sdelay $0x4  }
0x277: {  	[tilespmem:v18+s14+$0x0] =	vst.idx.msk $0xffff, v0  }
0x278: {  	v18 =	vld [tilespmem:$0x141C0];
	_ =	sdelay $0x4  }
0x279: {  	v19 =	vshll.u32 v18, $0x8;
	v18 =	vshll.u32 v18, $0x7  }
0x27a: {  	v19 =	vand.u32 $0xFFFFF800, v19;
	v18 =	vand.u32 $0x380, v18  }
0x27b: {  	v18 =	vor.u32 v18, v19  }
0x27c: {  	v18 =	vor.u32 v14, v18;
	_ =	sdelay $0x4  }
0x27d: {  	[tilespmem:v18+s14+$0x0] =	vst.idx.msk $0xffff, v0  }
0x27e: {  	v18 =	vld [tilespmem:$0x141D0];
	_ =	sdelay $0x4  }
0x27f: {  	v19 =	vshll.u32 v18, $0x8;
	v18 =	vshll.u32 v18, $0x7  }
0x280: {  	v19 =	vand.u32 $0xFFFFF800, v19;
	v18 =	vand.u32 $0x380, v18  }
0x281: {  	v18 =	vor.u32 v18, v19  }
0x282: {  	v18 =	vor.u32 v15, v18;
	_ =	sdelay $0x4  }
0x283: {  	[tilespmem:v18+s14+$0x0] =	vst.idx.msk $0xffff, v0  }
0x284: {  	v18 =	vld [tilespmem:$0x141E0];
	_ =	sdelay $0x4  }
0x285: {  	v19 =	vshll.u32 v18, $0x8;
	v18 =	vshll.u32 v18, $0x7  }
0x286: {  	v19 =	vand.u32 $0xFFFFF800, v19;
	v18 =	vand.u32 $0x380, v18  }
0x287: {  	v18 =	vor.u32 v18, v19  }
0x288: {  	v18 =	vor.u32 v16, v18;
	_ =	sdelay $0x4  }
0x289: {  	[tilespmem:v18+s14+$0x0] =	vst.idx.msk $0xffff, v0  }
0x28a: {  	v18 =	vld [tilespmem:$0x141F0];
	_ =	sdelay $0x4  }
0x28b: {  	v19 =	vshll.u32 v18, $0x8;
	v18 =	vshll.u32 v18, $0x7  }
0x28c: {  	v19 =	vand.u32 $0xFFFFF800, v19;
	v18 =	vand.u32 $0x380, v18  }
0x28d: {  	v18 =	vor.u32 v18, v19  }
0x28e: {  	v18 =	vor.u32 v17, v18;
	_ =	sdelay $0x4  }
0x28f: {  	[tilespmem:v18+s14+$0x0] =	vst.idx.msk $0xffff, v0  }
0x290: {  	v18 =	vld [tilespmem:s22+$0x800];
	_ =	sdelay $0x4  }
0x291: {  	v19 =	vshll.u32 v18, $0x8;
	v48 =	vshll.u32 v18, $0x7  }
0x292: {  	v19 =	vand.u32 $0xFFFFF800, v19;
	v20 =	vand.u32 $0x380, v48  }
0x293: {  	v19 =	vor.u32 v19, v20  }
0x294: {  	v19 =	vor.u32 v1, v19;
	_ =	sdelay $0x3  }
0x295: {  	[tilespmem:$0x14100] =	vst v18  }
0x296: {  	[tilespmem:v19+s14+$0x0] =	vst.idx.msk $0xffff, v2  }
0x297: {  	v18 =	vld [tilespmem:s22+$0x810];
	_ =	sdelay $0x4  }
0x298: {  	v19 =	vshll.u32 v18, $0x8;
	v49 =	vshll.u32 v18, $0x7  }
0x299: {  	v19 =	vand.u32 $0xFFFFF800, v19;
	v20 =	vand.u32 $0x380, v49  }
0x29a: {  	v19 =	vor.u32 v19, v20  }
0x29b: {  	v19 =	vor.u32 v3, v19;
	_ =	sdelay $0x3  }
0x29c: {  	[tilespmem:$0x14110] =	vst v18  }
0x29d: {  	[tilespmem:v19+s14+$0x0] =	vst.idx.msk $0xffff, v2  }
0x29e: {  	v18 =	vld [tilespmem:s22+$0x820];
	_ =	sdelay $0x4  }
0x29f: {  	v19 =	vshll.u32 v18, $0x8;
	v50 =	vshll.u32 v18, $0x7  }
0x2a0: {  	v19 =	vand.u32 $0xFFFFF800, v19;
	v20 =	vand.u32 $0x380, v50  }
0x2a1: {  	v19 =	vor.u32 v19, v20  }
0x2a2: {  	v19 =	vor.u32 v4, v19;
	_ =	sdelay $0x3  }
0x2a3: {  	[tilespmem:$0x14120] =	vst v18  }
0x2a4: {  	[tilespmem:v19+s14+$0x0] =	vst.idx.msk $0xffff, v2  }
0x2a5: {  	v18 =	vld [tilespmem:s22+$0x830];
	_ =	sdelay $0x4  }
0x2a6: {  	v19 =	vshll.u32 v18, $0x8;
	v51 =	vshll.u32 v18, $0x7  }
0x2a7: {  	v19 =	vand.u32 $0xFFFFF800, v19;
	v20 =	vand.u32 $0x380, v51  }
0x2a8: {  	v19 =	vor.u32 v19, v20  }
0x2a9: {  	v19 =	vor.u32 v5, v19;
	_ =	sdelay $0x3  }
0x2aa: {  	[tilespmem:$0x14130] =	vst v18  }
0x2ab: {  	[tilespmem:v19+s14+$0x0] =	vst.idx.msk $0xffff, v2  }
0x2ac: {  	v18 =	vld [tilespmem:s22+$0x840];
	_ =	sdelay $0x4  }
0x2ad: {  	v19 =	vshll.u32 v18, $0x8;
	v52 =	vshll.u32 v18, $0x7  }
0x2ae: {  	v19 =	vand.u32 $0xFFFFF800, v19;
	v20 =	vand.u32 $0x380, v52  }
0x2af: {  	v19 =	vor.u32 v19, v20  }
0x2b0: {  	v19 =	vor.u32 v6, v19;
	_ =	sdelay $0x3  }
0x2b1: {  	[tilespmem:$0x14140] =	vst v18  }
0x2b2: {  	[tilespmem:v19+s14+$0x0] =	vst.idx.msk $0xffff, v2  }
0x2b3: {  	v18 =	vld [tilespmem:s22+$0x850];
	_ =	sdelay $0x4  }
0x2b4: {  	v19 =	vshll.u32 v18, $0x8;
	v53 =	vshll.u32 v18, $0x7  }
0x2b5: {  	v19 =	vand.u32 $0xFFFFF800, v19;
	v20 =	vand.u32 $0x380, v53  }
0x2b6: {  	v19 =	vor.u32 v19, v20  }
0x2b7: {  	v19 =	vor.u32 v7, v19;
	_ =	sdelay $0x3  }
0x2b8: {  	[tilespmem:$0x14150] =	vst v18  }
0x2b9: {  	[tilespmem:v19+s14+$0x0] =	vst.idx.msk $0xffff, v2  }
0x2ba: {  	v18 =	vld [tilespmem:s22+$0x860];
	_ =	sdelay $0x4  }
0x2bb: {  	v19 =	vshll.u32 v18, $0x8;
	v54 =	vshll.u32 v18, $0x7  }
0x2bc: {  	v19 =	vand.u32 $0xFFFFF800, v19;
	v20 =	vand.u32 $0x380, v54  }
0x2bd: {  	v19 =	vor.u32 v19, v20  }
0x2be: {  	v19 =	vor.u32 v8, v19;
	_ =	sdelay $0x3  }
0x2bf: {  	[tilespmem:$0x14160] =	vst v18  }
0x2c0: {  	[tilespmem:v19+s14+$0x0] =	vst.idx.msk $0xffff, v2  }
0x2c1: {  	v18 =	vld [tilespmem:s22+$0x870];
	_ =	sdelay $0x4  }
0x2c2: {  	v19 =	vshll.u32 v18, $0x8;
	v55 =	vshll.u32 v18, $0x7  }
0x2c3: {  	v19 =	vand.u32 $0xFFFFF800, v19;
	v20 =	vand.u32 $0x380, v55  }
0x2c4: {  	v19 =	vor.u32 v19, v20  }
0x2c5: {  	v19 =	vor.u32 v9, v19;
	_ =	sdelay $0x3  }
0x2c6: {  	[tilespmem:$0x14170] =	vst v18  }
0x2c7: {  	[tilespmem:v19+s14+$0x0] =	vst.idx.msk $0xffff, v2  }
0x2c8: {  	v18 =	vld [tilespmem:s22+$0xC00];
	_ =	sdelay $0x4  }
0x2c9: {  	v19 =	vshll.u32 v18, $0x8;
	v56 =	vshll.u32 v18, $0x7  }
0x2ca: {  	v19 =	vand.u32 $0xFFFFF800, v19;
	v20 =	vand.u32 $0x380, v56  }
0x2cb: {  	v19 =	vor.u32 v20, v19  }
0x2cc: {  	v19 =	vor.u32 v10, v19;
	_ =	sdelay $0x3  }
0x2cd: {  	[tilespmem:$0x14180] =	vst v18  }
0x2ce: {  	[tilespmem:v19+s14+$0x0] =	vst.idx.msk $0xffff, v2  }
0x2cf: {  	v18 =	vld [tilespmem:s22+$0xC10];
	_ =	sdelay $0x4  }
0x2d0: {  	v19 =	vshll.u32 v18, $0x8;
	v57 =	vshll.u32 v18, $0x7  }
0x2d1: {  	v19 =	vand.u32 $0xFFFFF800, v19;
	v20 =	vand.u32 $0x380, v57  }
0x2d2: {  	v19 =	vor.u32 v20, v19  }
0x2d3: {  	v19 =	vor.u32 v11, v19;
	_ =	sdelay $0x3  }
0x2d4: {  	[tilespmem:$0x14190] =	vst v18  }
0x2d5: {  	[tilespmem:v19+s14+$0x0] =	vst.idx.msk $0xffff, v2  }
0x2d6: {  	v18 =	vld [tilespmem:s22+$0xC20];
	_ =	sdelay $0x4  }
0x2d7: {  	v19 =	vshll.u32 v18, $0x8;
	v58 =	vshll.u32 v18, $0x7  }
0x2d8: {  	v19 =	vand.u32 $0xFFFFF800, v19;
	v20 =	vand.u32 $0x380, v58  }
0x2d9: {  	v19 =	vor.u32 v20, v19  }
0x2da: {  	v19 =	vor.u32 v12, v19;
	_ =	sdelay $0x3  }
0x2db: {  	[tilespmem:$0x141A0] =	vst v18  }
0x2dc: {  	[tilespmem:v19+s14+$0x0] =	vst.idx.msk $0xffff, v2  }
0x2dd: {  	v18 =	vld [tilespmem:s22+$0xC30];
	_ =	sdelay $0x4  }
0x2de: {  	v19 =	vshll.u32 v18, $0x8;
	v59 =	vshll.u32 v18, $0x7  }
0x2df: {  	v19 =	vand.u32 $0xFFFFF800, v19;
	v20 =	vand.u32 $0x380, v59  }
0x2e0: {  	v19 =	vor.u32 v20, v19  }
0x2e1: {  	v19 =	vor.u32 v13, v19;
	_ =	sdelay $0x3  }
0x2e2: {  	[tilespmem:$0x141B0] =	vst v18  }
0x2e3: {  	[tilespmem:v19+s14+$0x0] =	vst.idx.msk $0xffff, v2  }
0x2e4: {  	v18 =	vld [tilespmem:s22+$0xC40];
	_ =	sdelay $0x4  }
0x2e5: {  	v19 =	vshll.u32 v18, $0x8;
	v60 =	vshll.u32 v18, $0x7  }
0x2e6: {  	v19 =	vand.u32 $0xFFFFF800, v19;
	v20 =	vand.u32 $0x380, v60  }
0x2e7: {  	v19 =	vor.u32 v20, v19  }
0x2e8: {  	v19 =	vor.u32 v14, v19;
	_ =	sdelay $0x3  }
0x2e9: {  	[tilespmem:$0x141C0] =	vst v18  }
0x2ea: {  	[tilespmem:v19+s14+$0x0] =	vst.idx.msk $0xffff, v2  }
0x2eb: {  	v18 =	vld [tilespmem:s22+$0xC50];
	_ =	sdelay $0x4  }
0x2ec: {  	v19 =	vshll.u32 v18, $0x8;
	v61 =	vshll.u32 v18, $0x7  }
0x2ed: {  	v19 =	vand.u32 $0xFFFFF800, v19;
	v20 =	vand.u32 $0x380, v61  }
0x2ee: {  	v19 =	vor.u32 v20, v19  }
0x2ef: {  	v19 =	vor.u32 v15, v19;
	_ =	sdelay $0x3  }
0x2f0: {  	[tilespmem:$0x141D0] =	vst v18  }
0x2f1: {  	[tilespmem:v19+s14+$0x0] =	vst.idx.msk $0xffff, v2  }
0x2f2: {  	v18 =	vld [tilespmem:s22+$0xC60];
	_ =	sdelay $0x4  }
0x2f3: {  	v19 =	vshll.u32 v18, $0x8;
	v62 =	vshll.u32 v18, $0x7  }
0x2f4: {  	v19 =	vand.u32 $0xFFFFF800, v19;
	v20 =	vand.u32 $0x380, v62  }
0x2f5: {  	v19 =	vor.u32 v20, v19  }
0x2f6: {  	v19 =	vor.u32 v16, v19;
	_ =	sdelay $0x3  }
0x2f7: {  	[tilespmem:$0x141E0] =	vst v18  }
0x2f8: {  	[tilespmem:v19+s14+$0x0] =	vst.idx.msk $0xffff, v2  }
0x2f9: {  	v18 =	vld [tilespmem:s22+$0xC70];
	_ =	sdelay $0x4  }
0x2fa: {  	v19 =	vshll.u32 v18, $0x8;
	v63 =	vshll.u32 v18, $0x7  }
0x2fb: {  	v19 =	vand.u32 $0xFFFFF800, v19;
	v20 =	vand.u32 $0x380, v63  }
0x2fc: {  	v19 =	vor.u32 v20, v19  }
0x2fd: {  	v19 =	vor.u32 v17, v19;
	_ =	sdelay $0x1  }
0x2fe: {  	p0 =	sne.s32 s18, $0x6200  }
.Ltmp2:
0x2ff: {  	_ = 	snop;
	(pc) =	sbr.rel @p0 .LBB2_6-.Ltmp2, $4  }
0x300: {  	[tilespmem:$0x141F0] =	vst v18  }
0x301: {  	s19 =	sadd.s32 $0x80, s19;
	[tilespmem:v19+s14+$0x0] =	vst.idx.msk $0xffff, v2  }
0x302: {  	[hbm4b:s21+s13] =	stream.strided.scatter [tilespmem:s14], [sflag:$0x2], $0x6800, s10, s13, $0x38;
	[tilespmem:$0x14200] =	vst v63  }
0x303: {  	s18 =	sadd.s32 $0x200, s18;
	s20 =	sadd.s32 $0x34000, s20;
	s21 =	sadd.s32 $0x34000, s21  }
0x304: {  	s17 =	sadd.s32 $0x1, s17  }
0x305: {  	_ =	swait.ge [sflag:s15], $0x6800;
	p0 =	sne.s32 s17, s6  }
.Ltmp3:
0x306: {  	[sflag:s15] =	ssyncset.done $0x0;
	(pc) =	sbr.rel @p0 .LBB2_1-.Ltmp3, $4  }
0x307: {  	[sflag:s15] =	ssyncadd.s32 $0xFFFF9800  }
0x308: {  	_ =	swait.ge [sflag:s16], $0x6800  }
0x309: {  	[sflag:s16] =	ssyncset.done $0x0  }
0x30a: {  	[sflag:s16] =	ssyncadd.s32 $0xFFFF9800  }
0x30b: {  	_ =	sfence.sel $0x180000  }
0x30c: {  	[bflag:$0x0] =	sbarrier.arrive $0xFFFF  }
0x30d: {  	p0 =	sne.s32 s2, $0x0;
	_ =	strace $0x90000047  }
0x30e: {  	s0 =	sadd.s32 @!p0 $0x100000, s0;
	[bflag:$0x2] =	sbarrier.arrive $0xFFFF  }
0x30f: {  	[sflag:s0] =	ssyncadd.tile.s32 @!p0 $0x1;
	_ =	shalt  }
.Lfunc_end2:
_tile_overlayer_lowered:
.L_overlay_start_2:
0x310: {  	(tag) =	ssettag $0x2  }
0x311: {  	s0 =	rddreg [dreg:$0x0];
	s2 =	stileid.u32  }
0x312: {  	s1 =	rddreg [dreg:$0x1];
	p0 =	sne.s32 s2, $0x0  }
0x313: {  	s3 =	rddreg [dreg:$0x2];
	[bflag:$0x3] =	sbarrier.arrive $0xFFFF;
	s2 =	simm.s32 @!p0 $0x1C04  }
0x314: {  	[timem:s3], [sflag:s2] =	dma.local @!p0 [hbm:s0], s1  }
0x315: {  	s0 =	simm.s32 @!p0 $0x4  }
0x316: {  	_ =	swait.ge @!p0 [sflag:s0], s1  }
0x317: {  	s1 =	ssub.s32 @!p0 $0x0, s1;
	[sflag:s0] =	ssyncset.done @!p0 $0x0  }
0x318: {  	[sflag:s0] =	ssyncadd.s32 @!p0 s1  }
0x319: {  	[bflag:$0x3] =	sbarrier.arrive $0xFFFF  }
0x31a: {  	_ =	shalt  }

</sc_bundles>
